<compile_context>
chip_gen: v7x
topology: tpu7x:2x2x1
jax: 0.10.2.dev20260603
libtpu: 0.0.44.dev20260713+nightly
codegen_flags: <defaults>
</compile_context>

<pallas_src>
import functools

import jax
import jax.numpy as jnp
from jax import lax
from jax.experimental import pallas as pl
from jax.experimental.pallas import tpu as pltpu
from jax.experimental.pallas import tpu_sc as plsc

_N = 10000
_E = 320000
_D = 128

_NC = 2
_NS = 16
_NW = _NC * _NS
_EPW = _E // _NW
_C = 80
_NCHUNK = _EPW // _C
_NP = 10240
_RPT = _NP // _NS
_ZROWS = 128
_DEPTH = 3


def _sc_scatter(src3, dst3, xb, zeros):
    mesh = plsc.VectorSubcoreMesh(core_axis_name="c", subcore_axis_name="s")

    @functools.partial(
        pl.kernel,
        mesh=mesh,
        compiler_params=pltpu.CompilerParams(use_tc_tiling_on_sc=False),
        out_type=jax.ShapeDtypeStruct((_NC * _NP, _D), jnp.bfloat16),
        scratch_types=(
            [pltpu.VMEM((_NCHUNK, _C), jnp.int32)] +
            [pltpu.VMEM((_C,), jnp.int32)] * _DEPTH +
            [pltpu.VMEM((_C, _D), jnp.bfloat16)] * _DEPTH +
            [pltpu.VMEM_SHARED((_NP, _D), jnp.bfloat16)] +
            [pltpu.SemaphoreType.DMA] * (3 * _DEPTH + 1)
        ),
    )
    def k(src_hbm, dst_hbm, x_hbm, z_hbm, out_hbm, sidx,
          d0, d1, d2, r0, r1, r2, acc,
          g0, g1, g2, s0, s1, s2, f0, f1, f2, zs):
        didx = [d0, d1, d2]
        rows = [r0, r1, r2]
        gs = [g0, g1, g2]
        ss = [s0, s1, s2]
        fs = [f0, f1, f2]
        cid = lax.axis_index("c")
        sid = lax.axis_index("s")
        wid = sid * _NC + cid
        base_row = sid * _RPT

        def dfetch(j, k_):
            return pltpu.async_copy(dst_hbm.at[wid, j], didx[k_], fs[k_])

        def gather(j, k_):
            return pltpu.async_copy(x_hbm.at[sidx.at[j]], rows[k_], gs[k_])

        def scat(k_):
            return pltpu.async_copy(rows[k_], acc.at[didx[k_]], ss[k_],
                                    add=True)

        gw = [pltpu.make_async_copy(x_hbm.at[didx[k_]], rows[k_], gs[k_])
              for k_ in range(_DEPTH)]
        sw = [pltpu.make_async_copy(rows[k_], acc.at[didx[k_]], ss[k_])
              for k_ in range(_DEPTH)]
        dw = [pltpu.make_async_copy(dst_hbm.at[wid, 0], didx[k_], fs[k_])
              for k_ in range(_DEPTH)]

        def fill(j, k_):
            p = (k_ + _DEPTH - 1) % _DEPTH
            sw[k_].wait()
            dfetch(j, k_)
            gather(j, k_)
            gw[p].wait()
            dw[p].wait()
            scat(p)

        zcps = [pltpu.async_copy(
            z_hbm, acc.at[pl.ds(base_row + j * _ZROWS, _ZROWS)], zs)
            for j in range(_RPT // _ZROWS)]
        pltpu.sync_copy(src_hbm.at[wid], sidx)
        for j in range(_DEPTH):
            dfetch(j, j)
            gather(j, j)
        for z in zcps:
            z.wait()
        plsc.subcore_barrier()
        gw[0].wait()
        dw[0].wait()
        scat(0)
        gw[1].wait()
        dw[1].wait()
        scat(1)

        def trip(i, carry):
            for u in range(_DEPTH):
                fill(_DEPTH * i + _DEPTH + u, u)
            return carry
        n_trips = (_NCHUNK - _DEPTH) // _DEPTH
        lax.fori_loop(0, n_trips, trip, 0)

        rem = range(_DEPTH * n_trips + _DEPTH, _NCHUNK)
        last = None
        for j in rem:
            fill(j, j % _DEPTH)
            last = j
        lp = last % _DEPTH
        gw[lp].wait()
        dw[lp].wait()
        scat(lp)
        for j in range(last - _DEPTH + 1, last + 1):
            sw[j % _DEPTH].wait()
        plsc.subcore_barrier()

        pltpu.sync_copy(acc.at[pl.ds(base_row, _RPT)],
                        out_hbm.at[pl.ds(cid * _NP + base_row, _RPT)])

    return k(src3, dst3, xb, zeros)


def _tc_add(p0, p1):
    blk = 1000

    def body(a_ref, b_ref, o_ref):
        o_ref[...] = (a_ref[...].astype(jnp.float32)
                      + b_ref[...].astype(jnp.float32))

    return pl.pallas_call(
        body,
        grid=(_N // blk,),
        in_specs=[pl.BlockSpec((blk, _D), lambda i: (i, 0)),
                  pl.BlockSpec((blk, _D), lambda i: (i, 0))],
        out_specs=pl.BlockSpec((blk, _D), lambda i: (i, 0)),
        out_shape=jax.ShapeDtypeStruct((_N, _D), jnp.float32),
    )(p0, p1)


def kernel(edge_index, x):
    ei = edge_index.astype(jnp.int32)
    src3 = ei[0].reshape(_NW, _NCHUNK, _C)
    dst3 = ei[1].reshape(_NW, _NCHUNK, _C)
    xb = x.astype(jnp.bfloat16)
    zeros = jnp.zeros((_ZROWS, _D), jnp.bfloat16)
    partials = _sc_scatter(src3, dst3, xb, zeros)
    return _tc_add(partials[:_N], partials[_NP:_NP + _N])

# --- scband reference (transcript-rebuilt; emitter-appended) ---
"""Pipeline reference for scband-op-node-message-passing-23184233463941 (READ-ONLY COPY).

The authoritative reference and input builder live on the scoring server;
editing this copy changes nothing except your own understanding.
"""

import jax, jax.numpy as jnp
import numpy as np

N_NODES = 10000
N_EDGES = 320000
D_FEAT = 128

def setup_inputs(seed: int = 0) -> dict:
    key = jax.random.key(seed)
    k1, k2 = jax.random.split(key)
    x = jax.random.normal(k1, (N_NODES, D_FEAT), dtype=jnp.float32)
    edge_index = jax.random.randint(k2, (2, N_EDGES), 0, N_NODES).astype(jnp.int64)
    return {"edge_index": edge_index, "x": x}

def reference(edge_index, x):
    # Sparse adjacency A (COO edge_index) times X with sum aggregation:
    # out[dst] = sum_{(src,dst) in E} x[src]
    src = edge_index[0]
    dst = edge_index[1]
    msg = jnp.take(x, src, axis=0)            # gather source-node features per edge
    out = jax.ops.segment_sum(msg, dst, num_segments=N_NODES)  # scatter-add to dst
    return out

if __name__ == "__main__":
    import jax
    _d = setup_inputs()
    print(jax.jit(kernel)(*tuple(_d.values())))

</pallas_src>

<mosaic_0001>
#map = affine_map<(d0, d1) -> (0, 0, 0)>
#map1 = affine_map<(d0, d1) -> (0, 0)>
module attributes {stable_mosaic.version = 14 : i64} {
  func.func @k(%arg0: i32, %arg1: i32, %arg2: memref<32x125x80xi32, #tpu.memory_space<hbm>>, %arg3: memref<32x125x80xi32, #tpu.memory_space<hbm>>, %arg4: memref<10000x128xbf16, #tpu.memory_space<hbm>>, %arg5: memref<128x128xbf16, #tpu.memory_space<hbm>>, %arg6: memref<20480x128xbf16, #tpu.memory_space<hbm>>, %arg7: memref<125x80xi32, #tpu.memory_space<vmem>>, %arg8: memref<80xi32, #tpu.memory_space<vmem>>, %arg9: memref<80xi32, #tpu.memory_space<vmem>>, %arg10: memref<80xi32, #tpu.memory_space<vmem>>, %arg11: memref<80x128xbf16, #tpu.memory_space<vmem>>, %arg12: memref<80x128xbf16, #tpu.memory_space<vmem>>, %arg13: memref<80x128xbf16, #tpu.memory_space<vmem>>, %arg14: memref<10240x128xbf16, #tpu.memory_space<vmem_shared>>, %arg15: memref<!tpu.dma_semaphore, #tpu.memory_space<semaphore_mem>>, %arg16: memref<!tpu.dma_semaphore, #tpu.memory_space<semaphore_mem>>, %arg17: memref<!tpu.dma_semaphore, #tpu.memory_space<semaphore_mem>>, %arg18: memref<!tpu.dma_semaphore, #tpu.memory_space<semaphore_mem>>, %arg19: memref<!tpu.dma_semaphore, #tpu.memory_space<semaphore_mem>>, %arg20: memref<!tpu.dma_semaphore, #tpu.memory_space<semaphore_mem>>, %arg21: memref<!tpu.dma_semaphore, #tpu.memory_space<semaphore_mem>>, %arg22: memref<!tpu.dma_semaphore, #tpu.memory_space<semaphore_mem>>, %arg23: memref<!tpu.dma_semaphore, #tpu.memory_space<semaphore_mem>>, %arg24: memref<!tpu.dma_semaphore, #tpu.memory_space<semaphore_mem>>) attributes {dimension_semantics = [#tpu.dimension_semantics<core_parallel>, #tpu.dimension_semantics<subcore_parallel>], iteration_bounds = array<i64: 2, 16>, scalar_prefetch = 0 : i64, scratch_operands = 18 : i64, tpu.core_type = #tpu.core_type<sc_vector_subcore>, window_params = [{transform_indices = #map}, {transform_indices = #map}, {transform_indices = #map1}, {transform_indices = #map1}, {transform_indices = #map1}]} {
    %mul3A = arith.constant 2 : i32
    %mul3A_0 = arith.muli %arg1, %mul3A : i32
    %add3A = arith.addi %mul3A_0, %arg0 : i32
    %mul3A_1 = arith.constant 640 : i32
    %mul3A_2 = arith.muli %arg1, %mul3A_1 : i32
    %add3A_3 = arith.constant 0 : i32
    %add3A_4 = arith.addi %mul3A_2, %add3A_3 : i32
    %dma_start3A = arith.constant 0 : i32
    %dma_start3A_5 = tpu.memref_slice %arg14[%add3A_4, %dma_start3A] : memref<10240x128xbf16, #tpu.memory_space<vmem_shared>> -> memref<128x128xbf16, #tpu.memory_space<vmem_shared>>
    tpu.enqueue_dma source(%arg5 : memref<128x128xbf16, #tpu.memory_space<hbm>>) target(%dma_start3A_5 : memref<128x128xbf16, #tpu.memory_space<vmem_shared>>) target_semaphore(%arg24 : memref<!tpu.dma_semaphore, #tpu.memory_space<semaphore_mem>>)
    %add3A_6 = arith.constant 128 : i32
    %add3A_7 = arith.addi %mul3A_2, %add3A_6 : i32
    %dma_start3A_8 = arith.constant 0 : i32
    %dma_start3A_9 = tpu.memref_slice %arg14[%add3A_7, %dma_start3A_8] : memref<10240x128xbf16, #tpu.memory_space<vmem_shared>> -> memref<128x128xbf16, #tpu.memory_space<vmem_shared>>
    tpu.enqueue_dma source(%arg5 : memref<128x128xbf16, #tpu.memory_space<hbm>>) target(%dma_start3A_9 : memref<128x128xbf16, #tpu.memory_space<vmem_shared>>) target_semaphore(%arg24 : memref<!tpu.dma_semaphore, #tpu.memory_space<semaphore_mem>>)
    %add3A_10 = arith.constant 256 : i32
    %add3A_11 = arith.addi %mul3A_2, %add3A_10 : i32
    %dma_start3A_12 = arith.constant 0 : i32
    %dma_start3A_13 = tpu.memref_slice %arg14[%add3A_11, %dma_start3A_12] : memref<10240x128xbf16, #tpu.memory_space<vmem_shared>> -> memref<128x128xbf16, #tpu.memory_space<vmem_shared>>
    tpu.enqueue_dma source(%arg5 : memref<128x128xbf16, #tpu.memory_space<hbm>>) target(%dma_start3A_13 : memref<128x128xbf16, #tpu.memory_space<vmem_shared>>) target_semaphore(%arg24 : memref<!tpu.dma_semaphore, #tpu.memory_space<semaphore_mem>>)
    %add3A_14 = arith.constant 384 : i32
    %add3A_15 = arith.addi %mul3A_2, %add3A_14 : i32
    %dma_start3A_16 = arith.constant 0 : i32
    %dma_start3A_17 = tpu.memref_slice %arg14[%add3A_15, %dma_start3A_16] : memref<10240x128xbf16, #tpu.memory_space<vmem_shared>> -> memref<128x128xbf16, #tpu.memory_space<vmem_shared>>
    tpu.enqueue_dma source(%arg5 : memref<128x128xbf16, #tpu.memory_space<hbm>>) target(%dma_start3A_17 : memref<128x128xbf16, #tpu.memory_space<vmem_shared>>) target_semaphore(%arg24 : memref<!tpu.dma_semaphore, #tpu.memory_space<semaphore_mem>>)
    %add3A_18 = arith.constant 512 : i32
    %add3A_19 = arith.addi %mul3A_2, %add3A_18 : i32
    %dma_start3A_20 = arith.constant 0 : i32
    %dma_start3A_21 = tpu.memref_slice %arg14[%add3A_19, %dma_start3A_20] : memref<10240x128xbf16, #tpu.memory_space<vmem_shared>> -> memref<128x128xbf16, #tpu.memory_space<vmem_shared>>
    tpu.enqueue_dma source(%arg5 : memref<128x128xbf16, #tpu.memory_space<hbm>>) target(%dma_start3A_21 : memref<128x128xbf16, #tpu.memory_space<vmem_shared>>) target_semaphore(%arg24 : memref<!tpu.dma_semaphore, #tpu.memory_space<semaphore_mem>>)
    "tpu.region"() ({
      %run_scoped3A = tpu.sem_alloc : memref<!tpu.dma_semaphore, #tpu.memory_space<semaphore_mem>>
      %dma_start3A_193 = arith.constant 0 : i32
      %dma_start3A_194 = arith.constant 0 : i32
      %dma_start3A_195 = tpu.memref_slice %arg2[%add3A, %dma_start3A_193, %dma_start3A_194] : memref<32x125x80xi32, #tpu.memory_space<hbm>> -> memref<1x125x80xi32, #tpu.memory_space<hbm>>
      %dma_start3A_196 = tpu.memref_squeeze %dma_start3A_195 : memref<1x125x80xi32, #tpu.memory_space<hbm>> -> memref<125x80xi32, #tpu.memory_space<hbm>>
      %dma_start3A_197 = arith.constant 0 : i32
      %dma_start3A_198 = arith.constant 0 : i32
      %dma_start3A_199 = tpu.memref_slice %arg2[%add3A, %dma_start3A_197, %dma_start3A_198] : memref<32x125x80xi32, #tpu.memory_space<hbm>> -> memref<1x125x80xi32, #tpu.memory_space<hbm>>
      %dma_start3A_200 = tpu.memref_squeeze %dma_start3A_199 : memref<1x125x80xi32, #tpu.memory_space<hbm>> -> memref<125x80xi32, #tpu.memory_space<hbm>>
      tpu.enqueue_dma source(%dma_start3A_200 : memref<125x80xi32, #tpu.memory_space<hbm>>) target(%arg7 : memref<125x80xi32, #tpu.memory_space<vmem>>) target_semaphore(%run_scoped3A : memref<!tpu.dma_semaphore, #tpu.memory_space<semaphore_mem>>)
      %dma_wait3A_201 = arith.constant 0 : i32
      %dma_wait3A_202 = arith.constant 0 : i32
      %dma_wait3A_203 = tpu.memref_slice %arg2[%add3A, %dma_wait3A_201, %dma_wait3A_202] : memref<32x125x80xi32, #tpu.memory_space<hbm>> -> memref<1x125x80xi32, #tpu.memory_space<hbm>>
      %dma_wait3A_204 = tpu.memref_squeeze %dma_wait3A_203 : memref<1x125x80xi32, #tpu.memory_space<hbm>> -> memref<125x80xi32, #tpu.memory_space<hbm>>
      %dma_wait3A_205 = arith.constant 0 : i32
      %dma_wait3A_206 = arith.constant 0 : i32
      %dma_wait3A_207 = tpu.memref_slice %arg2[%add3A, %dma_wait3A_205, %dma_wait3A_206] : memref<32x125x80xi32, #tpu.memory_space<hbm>> -> memref<1x125x80xi32, #tpu.memory_space<hbm>>
      %dma_wait3A_208 = tpu.memref_squeeze %dma_wait3A_207 : memref<1x125x80xi32, #tpu.memory_space<hbm>> -> memref<125x80xi32, #tpu.memory_space<hbm>>
      tpu.wait_dma2 semaphore(%run_scoped3A : memref<!tpu.dma_semaphore, #tpu.memory_space<semaphore_mem>>) src(%dma_wait3A_208 : memref<125x80xi32, #tpu.memory_space<hbm>>) dst(%arg7 : memref<125x80xi32, #tpu.memory_space<vmem>>)
      tpu.yield
    }) : () -> ()
    %dma_start3A_22 = arith.constant 0 : i32
    %dma_start3A_23 = arith.constant 0 : i32
    %dma_start3A_24 = tpu.memref_slice %arg3[%add3A, %dma_start3A_22, %dma_start3A_23] : memref<32x125x80xi32, #tpu.memory_space<hbm>> -> memref<1x1x80xi32, #tpu.memory_space<hbm>>
    %dma_start3A_25 = tpu.memref_squeeze %dma_start3A_24 : memref<1x1x80xi32, #tpu.memory_space<hbm>> -> memref<80xi32, #tpu.memory_space<hbm>>
    %dma_start3A_26 = arith.constant 0 : i32
    %dma_start3A_27 = tpu.memref_slice %arg3[%add3A, %dma_start3A_22, %dma_start3A_26] : memref<32x125x80xi32, #tpu.memory_space<hbm>> -> memref<1x1x80xi32, #tpu.memory_space<hbm>>
    %dma_start3A_28 = tpu.memref_squeeze %dma_start3A_27 : memref<1x1x80xi32, #tpu.memory_space<hbm>> -> memref<80xi32, #tpu.memory_space<hbm>>
    tpu.enqueue_dma source(%dma_start3A_28 : memref<80xi32, #tpu.memory_space<hbm>>) target(%arg8 : memref<80xi32, #tpu.memory_space<vmem>>) target_semaphore(%arg21 : memref<!tpu.dma_semaphore, #tpu.memory_space<semaphore_mem>>)
    %dma_start3A_29 = arith.constant 0 : i32
    %dma_start3A_30 = arith.constant 0 : i32
    %dma_start3A_31 = tpu.memref_slice %arg7[%dma_start3A_29, %dma_start3A_30] : memref<125x80xi32, #tpu.memory_space<vmem>> -> memref<1x80xi32, #tpu.memory_space<vmem>>
    %dma_start3A_32 = tpu.memref_squeeze %dma_start3A_31 : memref<1x80xi32, #tpu.memory_space<vmem>> -> memref<80xi32, #tpu.memory_space<vmem>>
    %dma_start3A_33 = arith.constant 0 : i32
    %dma_start3A_34 = arith.constant 0 : i32
    %dma_start3A_35 = tpu.memref_slice %arg4[%dma_start3A_33, %dma_start3A_34] : memref<10000x128xbf16, #tpu.memory_space<hbm>> -> memref<10000x128xbf16, #tpu.memory_space<hbm>>
    tpu.enqueue_indirect_dma source(%dma_start3A_35 : memref<10000x128xbf16, #tpu.memory_space<hbm>>) target(%arg11 : memref<80x128xbf16, #tpu.memory_space<vmem>>) offsets(%dma_start3A_32 : memref<80xi32, #tpu.memory_space<vmem>>) semaphore(%arg15 : memref<!tpu.dma_semaphore, #tpu.memory_space<semaphore_mem>>)
    %dma_start3A_36 = arith.constant 1 : i32
    %dma_start3A_37 = arith.constant 0 : i32
    %dma_start3A_38 = tpu.memref_slice %arg3[%add3A, %dma_start3A_36, %dma_start3A_37] : memref<32x125x80xi32, #tpu.memory_space<hbm>> -> memref<1x1x80xi32, #tpu.memory_space<hbm>>
    %dma_start3A_39 = tpu.memref_squeeze %dma_start3A_38 : memref<1x1x80xi32, #tpu.memory_space<hbm>> -> memref<80xi32, #tpu.memory_space<hbm>>
    %dma_start3A_40 = arith.constant 0 : i32
    %dma_start3A_41 = tpu.memref_slice %arg3[%add3A, %dma_start3A_36, %dma_start3A_40] : memref<32x125x80xi32, #tpu.memory_space<hbm>> -> memref<1x1x80xi32, #tpu.memory_space<hbm>>
    %dma_start3A_42 = tpu.memref_squeeze %dma_start3A_41 : memref<1x1x80xi32, #tpu.memory_space<hbm>> -> memref<80xi32, #tpu.memory_space<hbm>>
    tpu.enqueue_dma source(%dma_start3A_42 : memref<80xi32, #tpu.memory_space<hbm>>) target(%arg9 : memref<80xi32, #tpu.memory_space<vmem>>) target_semaphore(%arg22 : memref<!tpu.dma_semaphore, #tpu.memory_space<semaphore_mem>>)
    %dma_start3A_43 = arith.constant 1 : i32
    %dma_start3A_44 = arith.constant 0 : i32
    %dma_start3A_45 = tpu.memref_slice %arg7[%dma_start3A_43, %dma_start3A_44] : memref<125x80xi32, #tpu.memory_space<vmem>> -> memref<1x80xi32, #tpu.memory_space<vmem>>
    %dma_start3A_46 = tpu.memref_squeeze %dma_start3A_45 : memref<1x80xi32, #tpu.memory_space<vmem>> -> memref<80xi32, #tpu.memory_space<vmem>>
    %dma_start3A_47 = arith.constant 0 : i32
    %dma_start3A_48 = arith.constant 0 : i32
    %dma_start3A_49 = tpu.memref_slice %arg4[%dma_start3A_47, %dma_start3A_48] : memref<10000x128xbf16, #tpu.memory_space<hbm>> -> memref<10000x128xbf16, #tpu.memory_space<hbm>>
    tpu.enqueue_indirect_dma source(%dma_start3A_49 : memref<10000x128xbf16, #tpu.memory_space<hbm>>) target(%arg12 : memref<80x128xbf16, #tpu.memory_space<vmem>>) offsets(%dma_start3A_46 : memref<80xi32, #tpu.memory_space<vmem>>) semaphore(%arg16 : memref<!tpu.dma_semaphore, #tpu.memory_space<semaphore_mem>>)
    %dma_start3A_50 = arith.constant 2 : i32
    %dma_start3A_51 = arith.constant 0 : i32
    %dma_start3A_52 = tpu.memref_slice %arg3[%add3A, %dma_start3A_50, %dma_start3A_51] : memref<32x125x80xi32, #tpu.memory_space<hbm>> -> memref<1x1x80xi32, #tpu.memory_space<hbm>>
    %dma_start3A_53 = tpu.memref_squeeze %dma_start3A_52 : memref<1x1x80xi32, #tpu.memory_space<hbm>> -> memref<80xi32, #tpu.memory_space<hbm>>
    %dma_start3A_54 = arith.constant 0 : i32
    %dma_start3A_55 = tpu.memref_slice %arg3[%add3A, %dma_start3A_50, %dma_start3A_54] : memref<32x125x80xi32, #tpu.memory_space<hbm>> -> memref<1x1x80xi32, #tpu.memory_space<hbm>>
    %dma_start3A_56 = tpu.memref_squeeze %dma_start3A_55 : memref<1x1x80xi32, #tpu.memory_space<hbm>> -> memref<80xi32, #tpu.memory_space<hbm>>
    tpu.enqueue_dma source(%dma_start3A_56 : memref<80xi32, #tpu.memory_space<hbm>>) target(%arg10 : memref<80xi32, #tpu.memory_space<vmem>>) target_semaphore(%arg23 : memref<!tpu.dma_semaphore, #tpu.memory_space<semaphore_mem>>)
    %dma_start3A_57 = arith.constant 2 : i32
    %dma_start3A_58 = arith.constant 0 : i32
    %dma_start3A_59 = tpu.memref_slice %arg7[%dma_start3A_57, %dma_start3A_58] : memref<125x80xi32, #tpu.memory_space<vmem>> -> memref<1x80xi32, #tpu.memory_space<vmem>>
    %dma_start3A_60 = tpu.memref_squeeze %dma_start3A_59 : memref<1x80xi32, #tpu.memory_space<vmem>> -> memref<80xi32, #tpu.memory_space<vmem>>
    %dma_start3A_61 = arith.constant 0 : i32
    %dma_start3A_62 = arith.constant 0 : i32
    %dma_start3A_63 = tpu.memref_slice %arg4[%dma_start3A_61, %dma_start3A_62] : memref<10000x128xbf16, #tpu.memory_space<hbm>> -> memref<10000x128xbf16, #tpu.memory_space<hbm>>
    tpu.enqueue_indirect_dma source(%dma_start3A_63 : memref<10000x128xbf16, #tpu.memory_space<hbm>>) target(%arg13 : memref<80x128xbf16, #tpu.memory_space<vmem>>) offsets(%dma_start3A_60 : memref<80xi32, #tpu.memory_space<vmem>>) semaphore(%arg17 : memref<!tpu.dma_semaphore, #tpu.memory_space<semaphore_mem>>)
    %dma_wait3A = arith.constant 0 : i32
    %dma_wait3A_64 = tpu.memref_slice %arg14[%add3A_4, %dma_wait3A] : memref<10240x128xbf16, #tpu.memory_space<vmem_shared>> -> memref<128x128xbf16, #tpu.memory_space<vmem_shared>>
    tpu.wait_dma2 semaphore(%arg24 : memref<!tpu.dma_semaphore, #tpu.memory_space<semaphore_mem>>) src(%arg5 : memref<128x128xbf16, #tpu.memory_space<hbm>>) dst(%dma_wait3A_64 : memref<128x128xbf16, #tpu.memory_space<vmem_shared>>)
    %dma_wait3A_65 = arith.constant 0 : i32
    %dma_wait3A_66 = tpu.memref_slice %arg14[%add3A_7, %dma_wait3A_65] : memref<10240x128xbf16, #tpu.memory_space<vmem_shared>> -> memref<128x128xbf16, #tpu.memory_space<vmem_shared>>
    tpu.wait_dma2 semaphore(%arg24 : memref<!tpu.dma_semaphore, #tpu.memory_space<semaphore_mem>>) src(%arg5 : memref<128x128xbf16, #tpu.memory_space<hbm>>) dst(%dma_wait3A_66 : memref<128x128xbf16, #tpu.memory_space<vmem_shared>>)
    %dma_wait3A_67 = arith.constant 0 : i32
    %dma_wait3A_68 = tpu.memref_slice %arg14[%add3A_11, %dma_wait3A_67] : memref<10240x128xbf16, #tpu.memory_space<vmem_shared>> -> memref<128x128xbf16, #tpu.memory_space<vmem_shared>>
    tpu.wait_dma2 semaphore(%arg24 : memref<!tpu.dma_semaphore, #tpu.memory_space<semaphore_mem>>) src(%arg5 : memref<128x128xbf16, #tpu.memory_space<hbm>>) dst(%dma_wait3A_68 : memref<128x128xbf16, #tpu.memory_space<vmem_shared>>)
    %dma_wait3A_69 = arith.constant 0 : i32
    %dma_wait3A_70 = tpu.memref_slice %arg14[%add3A_15, %dma_wait3A_69] : memref<10240x128xbf16, #tpu.memory_space<vmem_shared>> -> memref<128x128xbf16, #tpu.memory_space<vmem_shared>>
    tpu.wait_dma2 semaphore(%arg24 : memref<!tpu.dma_semaphore, #tpu.memory_space<semaphore_mem>>) src(%arg5 : memref<128x128xbf16, #tpu.memory_space<hbm>>) dst(%dma_wait3A_70 : memref<128x128xbf16, #tpu.memory_space<vmem_shared>>)
    %dma_wait3A_71 = arith.constant 0 : i32
    %dma_wait3A_72 = tpu.memref_slice %arg14[%add3A_19, %dma_wait3A_71] : memref<10240x128xbf16, #tpu.memory_space<vmem_shared>> -> memref<128x128xbf16, #tpu.memory_space<vmem_shared>>
    tpu.wait_dma2 semaphore(%arg24 : memref<!tpu.dma_semaphore, #tpu.memory_space<semaphore_mem>>) src(%arg5 : memref<128x128xbf16, #tpu.memory_space<hbm>>) dst(%dma_wait3A_72 : memref<128x128xbf16, #tpu.memory_space<vmem_shared>>)
    %barrier3A = arith.constant 0 : index
    tpu.barrier barrier_id(%barrier3A)
    %dma_wait3A_73 = arith.constant 0 : i32
    %dma_wait3A_74 = arith.constant 0 : i32
    %dma_wait3A_75 = tpu.memref_slice %arg4[%dma_wait3A_73, %dma_wait3A_74] : memref<10000x128xbf16, #tpu.memory_space<hbm>> -> memref<10000x128xbf16, #tpu.memory_space<hbm>>
    tpu.wait_indirect_dma semaphore(%arg15 : memref<!tpu.dma_semaphore, #tpu.memory_space<semaphore_mem>>) src(%dma_wait3A_75 : memref<10000x128xbf16, #tpu.memory_space<hbm>>) dst(%arg11 : memref<80x128xbf16, #tpu.memory_space<vmem>>)
    %dma_wait3A_76 = arith.constant 0 : i32
    %dma_wait3A_77 = arith.constant 0 : i32
    %dma_wait3A_78 = tpu.memref_slice %arg3[%add3A, %dma_wait3A_76, %dma_wait3A_77] : memref<32x125x80xi32, #tpu.memory_space<hbm>> -> memref<1x1x80xi32, #tpu.memory_space<hbm>>
    %dma_wait3A_79 = tpu.memref_squeeze %dma_wait3A_78 : memref<1x1x80xi32, #tpu.memory_space<hbm>> -> memref<80xi32, #tpu.memory_space<hbm>>
    %dma_wait3A_80 = arith.constant 0 : i32
    %dma_wait3A_81 = tpu.memref_slice %arg3[%add3A, %dma_wait3A_76, %dma_wait3A_80] : memref<32x125x80xi32, #tpu.memory_space<hbm>> -> memref<1x1x80xi32, #tpu.memory_space<hbm>>
    %dma_wait3A_82 = tpu.memref_squeeze %dma_wait3A_81 : memref<1x1x80xi32, #tpu.memory_space<hbm>> -> memref<80xi32, #tpu.memory_space<hbm>>
    tpu.wait_dma2 semaphore(%arg21 : memref<!tpu.dma_semaphore, #tpu.memory_space<semaphore_mem>>) src(%dma_wait3A_82 : memref<80xi32, #tpu.memory_space<hbm>>) dst(%arg8 : memref<80xi32, #tpu.memory_space<vmem>>)
    %dma_start3A_83 = arith.constant 0 : i32
    %dma_start3A_84 = arith.constant 0 : i32
    %dma_start3A_85 = tpu.memref_slice %arg14[%dma_start3A_83, %dma_start3A_84] : memref<10240x128xbf16, #tpu.memory_space<vmem_shared>> -> memref<10240x128xbf16, #tpu.memory_space<vmem_shared>>
    tpu.enqueue_indirect_dma source(%arg11 : memref<80x128xbf16, #tpu.memory_space<vmem>>) target(%dma_start3A_85 : memref<10240x128xbf16, #tpu.memory_space<vmem_shared>>) offsets(%arg8 : memref<80xi32, #tpu.memory_space<vmem>>) semaphore(%arg18 : memref<!tpu.dma_semaphore, #tpu.memory_space<semaphore_mem>>) {add = true}
    %dma_wait3A_86 = arith.constant 0 : i32
    %dma_wait3A_87 = arith.constant 0 : i32
    %dma_wait3A_88 = tpu.memref_slice %arg4[%dma_wait3A_86, %dma_wait3A_87] : memref<10000x128xbf16, #tpu.memory_space<hbm>> -> memref<10000x128xbf16, #tpu.memory_space<hbm>>
    tpu.wait_indirect_dma semaphore(%arg16 : memref<!tpu.dma_semaphore, #tpu.memory_space<semaphore_mem>>) src(%dma_wait3A_88 : memref<10000x128xbf16, #tpu.memory_space<hbm>>) dst(%arg12 : memref<80x128xbf16, #tpu.memory_space<vmem>>)
    %dma_wait3A_89 = arith.constant 0 : i32
    %dma_wait3A_90 = arith.constant 0 : i32
    %dma_wait3A_91 = tpu.memref_slice %arg3[%add3A, %dma_wait3A_89, %dma_wait3A_90] : memref<32x125x80xi32, #tpu.memory_space<hbm>> -> memref<1x1x80xi32, #tpu.memory_space<hbm>>
    %dma_wait3A_92 = tpu.memref_squeeze %dma_wait3A_91 : memref<1x1x80xi32, #tpu.memory_space<hbm>> -> memref<80xi32, #tpu.memory_space<hbm>>
    %dma_wait3A_93 = arith.constant 0 : i32
    %dma_wait3A_94 = tpu.memref_slice %arg3[%add3A, %dma_wait3A_89, %dma_wait3A_93] : memref<32x125x80xi32, #tpu.memory_space<hbm>> -> memref<1x1x80xi32, #tpu.memory_space<hbm>>
    %dma_wait3A_95 = tpu.memref_squeeze %dma_wait3A_94 : memref<1x1x80xi32, #tpu.memory_space<hbm>> -> memref<80xi32, #tpu.memory_space<hbm>>
    tpu.wait_dma2 semaphore(%arg22 : memref<!tpu.dma_semaphore, #tpu.memory_space<semaphore_mem>>) src(%dma_wait3A_95 : memref<80xi32, #tpu.memory_space<hbm>>) dst(%arg9 : memref<80xi32, #tpu.memory_space<vmem>>)
    %dma_start3A_96 = arith.constant 0 : i32
    %dma_start3A_97 = arith.constant 0 : i32
    %dma_start3A_98 = tpu.memref_slice %arg14[%dma_start3A_96, %dma_start3A_97] : memref<10240x128xbf16, #tpu.memory_space<vmem_shared>> -> memref<10240x128xbf16, #tpu.memory_space<vmem_shared>>
    tpu.enqueue_indirect_dma source(%arg12 : memref<80x128xbf16, #tpu.memory_space<vmem>>) target(%dma_start3A_98 : memref<10240x128xbf16, #tpu.memory_space<vmem_shared>>) offsets(%arg9 : memref<80xi32, #tpu.memory_space<vmem>>) semaphore(%arg19 : memref<!tpu.dma_semaphore, #tpu.memory_space<semaphore_mem>>) {add = true}
    %scan3A = arith.constant 0 : i32
    %scan3A_99 = arith.constant 0 : i32
    %scan3A_100 = arith.constant 0 : i32
    %scan3A_101 = arith.constant 0 : i32
    %scan3A_102 = arith.constant 0 : i32
    %scan3A_103 = arith.constant 40 : i32
    %scan3A_104 = arith.addi %scan3A_102, %scan3A_103 : i32
    %scan3A_105 = arith.constant 1 : i32
    scf.for %scan3A_193 = %scan3A_102 to %scan3A_104 step %scan3A_105  : i32 {
      %mul3A_194 = arith.constant 3 : i32
      %mul3A_195 = arith.muli %mul3A_194, %scan3A_193 : i32
      %add3A_196 = arith.constant 3 : i32
      %add3A_197 = arith.addi %mul3A_195, %add3A_196 : i32
      %add3A_198 = arith.constant 0 : i32
      %add3A_199 = arith.addi %add3A_197, %add3A_198 : i32
      %dma_wait3A_200 = arith.constant 0 : i32
      %dma_wait3A_201 = arith.constant 0 : i32
      %dma_wait3A_202 = tpu.memref_slice %arg14[%dma_wait3A_200, %dma_wait3A_201] : memref<10240x128xbf16, #tpu.memory_space<vmem_shared>> -> memref<10240x128xbf16, #tpu.memory_space<vmem_shared>>
      tpu.wait_indirect_dma semaphore(%arg18 : memref<!tpu.dma_semaphore, #tpu.memory_space<semaphore_mem>>) src(%arg11 : memref<80x128xbf16, #tpu.memory_space<vmem>>) dst(%dma_wait3A_202 : memref<10240x128xbf16, #tpu.memory_space<vmem_shared>>)
      %dma_start3A_203 = arith.constant 0 : i32
      %dma_start3A_204 = tpu.memref_slice %arg3[%add3A, %add3A_199, %dma_start3A_203] : memref<32x125x80xi32, #tpu.memory_space<hbm>> -> memref<1x1x80xi32, #tpu.memory_space<hbm>>
      %dma_start3A_205 = tpu.memref_squeeze %dma_start3A_204 : memref<1x1x80xi32, #tpu.memory_space<hbm>> -> memref<80xi32, #tpu.memory_space<hbm>>
      %dma_start3A_206 = arith.constant 0 : i32
      %dma_start3A_207 = tpu.memref_slice %arg3[%add3A, %add3A_199, %dma_start3A_206] : memref<32x125x80xi32, #tpu.memory_space<hbm>> -> memref<1x1x80xi32, #tpu.memory_space<hbm>>
      %dma_start3A_208 = tpu.memref_squeeze %dma_start3A_207 : memref<1x1x80xi32, #tpu.memory_space<hbm>> -> memref<80xi32, #tpu.memory_space<hbm>>
      tpu.enqueue_dma source(%dma_start3A_208 : memref<80xi32, #tpu.memory_space<hbm>>) target(%arg8 : memref<80xi32, #tpu.memory_space<vmem>>) target_semaphore(%arg21 : memref<!tpu.dma_semaphore, #tpu.memory_space<semaphore_mem>>)
      %dma_start3A_209 = arith.constant 0 : i32
      %dma_start3A_210 = tpu.memref_slice %arg7[%add3A_199, %dma_start3A_209] : memref<125x80xi32, #tpu.memory_space<vmem>> -> memref<1x80xi32, #tpu.memory_space<vmem>>
      %dma_start3A_211 = tpu.memref_squeeze %dma_start3A_210 : memref<1x80xi32, #tpu.memory_space<vmem>> -> memref<80xi32, #tpu.memory_space<vmem>>
      %dma_start3A_212 = arith.constant 0 : i32
      %dma_start3A_213 = arith.constant 0 : i32
      %dma_start3A_214 = tpu.memref_slice %arg4[%dma_start3A_212, %dma_start3A_213] : memref<10000x128xbf16, #tpu.memory_space<hbm>> -> memref<10000x128xbf16, #tpu.memory_space<hbm>>
      tpu.enqueue_indirect_dma source(%dma_start3A_214 : memref<10000x128xbf16, #tpu.memory_space<hbm>>) target(%arg11 : memref<80x128xbf16, #tpu.memory_space<vmem>>) offsets(%dma_start3A_211 : memref<80xi32, #tpu.memory_space<vmem>>) semaphore(%arg15 : memref<!tpu.dma_semaphore, #tpu.memory_space<semaphore_mem>>)
      %dma_wait3A_215 = arith.constant 0 : i32
      %dma_wait3A_216 = arith.constant 0 : i32
      %dma_wait3A_217 = tpu.memref_slice %arg4[%dma_wait3A_215, %dma_wait3A_216] : memref<10000x128xbf16, #tpu.memory_space<hbm>> -> memref<10000x128xbf16, #tpu.memory_space<hbm>>
      tpu.wait_indirect_dma semaphore(%arg17 : memref<!tpu.dma_semaphore, #tpu.memory_space<semaphore_mem>>) src(%dma_wait3A_217 : memref<10000x128xbf16, #tpu.memory_space<hbm>>) dst(%arg13 : memref<80x128xbf16, #tpu.memory_space<vmem>>)
      %dma_wait3A_218 = arith.constant 0 : i32
      %dma_wait3A_219 = tpu.memref_slice %arg3[%add3A, %scan3A_99, %dma_wait3A_218] : memref<32x125x80xi32, #tpu.memory_space<hbm>> -> memref<1x1x80xi32, #tpu.memory_space<hbm>>
      %dma_wait3A_220 = tpu.memref_squeeze %dma_wait3A_219 : memref<1x1x80xi32, #tpu.memory_space<hbm>> -> memref<80xi32, #tpu.memory_space<hbm>>
      %dma_wait3A_221 = arith.constant 0 : i32
      %dma_wait3A_222 = tpu.memref_slice %arg3[%add3A, %scan3A_99, %dma_wait3A_221] : memref<32x125x80xi32, #tpu.memory_space<hbm>> -> memref<1x1x80xi32, #tpu.memory_space<hbm>>
      %dma_wait3A_223 = tpu.memref_squeeze %dma_wait3A_222 : memref<1x1x80xi32, #tpu.memory_space<hbm>> -> memref<80xi32, #tpu.memory_space<hbm>>
      tpu.wait_dma2 semaphore(%arg23 : memref<!tpu.dma_semaphore, #tpu.memory_space<semaphore_mem>>) src(%dma_wait3A_223 : memref<80xi32, #tpu.memory_space<hbm>>) dst(%arg10 : memref<80xi32, #tpu.memory_space<vmem>>)
      %dma_start3A_224 = arith.constant 0 : i32
      %dma_start3A_225 = arith.constant 0 : i32
      %dma_start3A_226 = tpu.memref_slice %arg14[%dma_start3A_224, %dma_start3A_225] : memref<10240x128xbf16, #tpu.memory_space<vmem_shared>> -> memref<10240x128xbf16, #tpu.memory_space<vmem_shared>>
      tpu.enqueue_indirect_dma source(%arg13 : memref<80x128xbf16, #tpu.memory_space<vmem>>) target(%dma_start3A_226 : memref<10240x128xbf16, #tpu.memory_space<vmem_shared>>) offsets(%arg10 : memref<80xi32, #tpu.memory_space<vmem>>) semaphore(%arg20 : memref<!tpu.dma_semaphore, #tpu.memory_space<semaphore_mem>>) {add = true}
      %mul3A_227 = arith.constant 3 : i32
      %mul3A_228 = arith.muli %mul3A_227, %scan3A_193 : i32
      %add3A_229 = arith.constant 3 : i32
      %add3A_230 = arith.addi %mul3A_228, %add3A_229 : i32
      %add3A_231 = arith.constant 1 : i32
      %add3A_232 = arith.addi %add3A_230, %add3A_231 : i32
      %dma_wait3A_233 = arith.constant 0 : i32
      %dma_wait3A_234 = arith.constant 0 : i32
      %dma_wait3A_235 = tpu.memref_slice %arg14[%dma_wait3A_233, %dma_wait3A_234] : memref<10240x128xbf16, #tpu.memory_space<vmem_shared>> -> memref<10240x128xbf16, #tpu.memory_space<vmem_shared>>
      tpu.wait_indirect_dma semaphore(%arg19 : memref<!tpu.dma_semaphore, #tpu.memory_space<semaphore_mem>>) src(%arg12 : memref<80x128xbf16, #tpu.memory_space<vmem>>) dst(%dma_wait3A_235 : memref<10240x128xbf16, #tpu.memory_space<vmem_shared>>)
      %dma_start3A_236 = arith.constant 0 : i32
      %dma_start3A_237 = tpu.memref_slice %arg3[%add3A, %add3A_232, %dma_start3A_236] : memref<32x125x80xi32, #tpu.memory_space<hbm>> -> memref<1x1x80xi32, #tpu.memory_space<hbm>>
      %dma_start3A_238 = tpu.memref_squeeze %dma_start3A_237 : memref<1x1x80xi32, #tpu.memory_space<hbm>> -> memref<80xi32, #tpu.memory_space<hbm>>
      %dma_start3A_239 = arith.constant 0 : i32
      %dma_start3A_240 = tpu.memref_slice %arg3[%add3A, %add3A_232, %dma_start3A_239] : memref<32x125x80xi32, #tpu.memory_space<hbm>> -> memref<1x1x80xi32, #tpu.memory_space<hbm>>
      %dma_start3A_241 = tpu.memref_squeeze %dma_start3A_240 : memref<1x1x80xi32, #tpu.memory_space<hbm>> -> memref<80xi32, #tpu.memory_space<hbm>>
      tpu.enqueue_dma source(%dma_start3A_241 : memref<80xi32, #tpu.memory_space<hbm>>) target(%arg9 : memref<80xi32, #tpu.memory_space<vmem>>) target_semaphore(%arg22 : memref<!tpu.dma_semaphore, #tpu.memory_space<semaphore_mem>>)
      %dma_start3A_242 = arith.constant 0 : i32
      %dma_start3A_243 = tpu.memref_slice %arg7[%add3A_232, %dma_start3A_242] : memref<125x80xi32, #tpu.memory_space<vmem>> -> memref<1x80xi32, #tpu.memory_space<vmem>>
      %dma_start3A_244 = tpu.memref_squeeze %dma_start3A_243 : memref<1x80xi32, #tpu.memory_space<vmem>> -> memref<80xi32, #tpu.memory_space<vmem>>
      %dma_start3A_245 = arith.constant 0 : i32
      %dma_start3A_246 = arith.constant 0 : i32
      %dma_start3A_247 = tpu.memref_slice %arg4[%dma_start3A_245, %dma_start3A_246] : memref<10000x128xbf16, #tpu.memory_space<hbm>> -> memref<10000x128xbf16, #tpu.memory_space<hbm>>
      tpu.enqueue_indirect_dma source(%dma_start3A_247 : memref<10000x128xbf16, #tpu.memory_space<hbm>>) target(%arg12 : memref<80x128xbf16, #tpu.memory_space<vmem>>) offsets(%dma_start3A_244 : memref<80xi32, #tpu.memory_space<vmem>>) semaphore(%arg16 : memref<!tpu.dma_semaphore, #tpu.memory_space<semaphore_mem>>)
      %dma_wait3A_248 = arith.constant 0 : i32
      %dma_wait3A_249 = arith.constant 0 : i32
      %dma_wait3A_250 = tpu.memref_slice %arg4[%dma_wait3A_248, %dma_wait3A_249] : memref<10000x128xbf16, #tpu.memory_space<hbm>> -> memref<10000x128xbf16, #tpu.memory_space<hbm>>
      tpu.wait_indirect_dma semaphore(%arg15 : memref<!tpu.dma_semaphore, #tpu.memory_space<semaphore_mem>>) src(%dma_wait3A_250 : memref<10000x128xbf16, #tpu.memory_space<hbm>>) dst(%arg11 : memref<80x128xbf16, #tpu.memory_space<vmem>>)
      %dma_wait3A_251 = arith.constant 0 : i32
      %dma_wait3A_252 = tpu.memref_slice %arg3[%add3A, %scan3A_100, %dma_wait3A_251] : memref<32x125x80xi32, #tpu.memory_space<hbm>> -> memref<1x1x80xi32, #tpu.memory_space<hbm>>
      %dma_wait3A_253 = tpu.memref_squeeze %dma_wait3A_252 : memref<1x1x80xi32, #tpu.memory_space<hbm>> -> memref<80xi32, #tpu.memory_space<hbm>>
      %dma_wait3A_254 = arith.constant 0 : i32
      %dma_wait3A_255 = tpu.memref_slice %arg3[%add3A, %scan3A_100, %dma_wait3A_254] : memref<32x125x80xi32, #tpu.memory_space<hbm>> -> memref<1x1x80xi32, #tpu.memory_space<hbm>>
      %dma_wait3A_256 = tpu.memref_squeeze %dma_wait3A_255 : memref<1x1x80xi32, #tpu.memory_space<hbm>> -> memref<80xi32, #tpu.memory_space<hbm>>
      tpu.wait_dma2 semaphore(%arg21 : memref<!tpu.dma_semaphore, #tpu.memory_space<semaphore_mem>>) src(%dma_wait3A_256 : memref<80xi32, #tpu.memory_space<hbm>>) dst(%arg8 : memref<80xi32, #tpu.memory_space<vmem>>)
      %dma_start3A_257 = arith.constant 0 : i32
      %dma_start3A_258 = arith.constant 0 : i32
      %dma_start3A_259 = tpu.memref_slice %arg14[%dma_start3A_257, %dma_start3A_258] : memref<10240x128xbf16, #tpu.memory_space<vmem_shared>> -> memref<10240x128xbf16, #tpu.memory_space<vmem_shared>>
      tpu.enqueue_indirect_dma source(%arg11 : memref<80x128xbf16, #tpu.memory_space<vmem>>) target(%dma_start3A_259 : memref<10240x128xbf16, #tpu.memory_space<vmem_shared>>) offsets(%arg8 : memref<80xi32, #tpu.memory_space<vmem>>) semaphore(%arg18 : memref<!tpu.dma_semaphore, #tpu.memory_space<semaphore_mem>>) {add = true}
      %mul3A_260 = arith.constant 3 : i32
      %mul3A_261 = arith.muli %mul3A_260, %scan3A_193 : i32
      %add3A_262 = arith.constant 3 : i32
      %add3A_263 = arith.addi %mul3A_261, %add3A_262 : i32
      %add3A_264 = arith.constant 2 : i32
      %add3A_265 = arith.addi %add3A_263, %add3A_264 : i32
      %dma_wait3A_266 = arith.constant 0 : i32
      %dma_wait3A_267 = arith.constant 0 : i32
      %dma_wait3A_268 = tpu.memref_slice %arg14[%dma_wait3A_266, %dma_wait3A_267] : memref<10240x128xbf16, #tpu.memory_space<vmem_shared>> -> memref<10240x128xbf16, #tpu.memory_space<vmem_shared>>
      tpu.wait_indirect_dma semaphore(%arg20 : memref<!tpu.dma_semaphore, #tpu.memory_space<semaphore_mem>>) src(%arg13 : memref<80x128xbf16, #tpu.memory_space<vmem>>) dst(%dma_wait3A_268 : memref<10240x128xbf16, #tpu.memory_space<vmem_shared>>)
      %dma_start3A_269 = arith.constant 0 : i32
      %dma_start3A_270 = tpu.memref_slice %arg3[%add3A, %add3A_265, %dma_start3A_269] : memref<32x125x80xi32, #tpu.memory_space<hbm>> -> memref<1x1x80xi32, #tpu.memory_space<hbm>>
      %dma_start3A_271 = tpu.memref_squeeze %dma_start3A_270 : memref<1x1x80xi32, #tpu.memory_space<hbm>> -> memref<80xi32, #tpu.memory_space<hbm>>
      %dma_start3A_272 = arith.constant 0 : i32
      %dma_start3A_273 = tpu.memref_slice %arg3[%add3A, %add3A_265, %dma_start3A_272] : memref<32x125x80xi32, #tpu.memory_space<hbm>> -> memref<1x1x80xi32, #tpu.memory_space<hbm>>
      %dma_start3A_274 = tpu.memref_squeeze %dma_start3A_273 : memref<1x1x80xi32, #tpu.memory_space<hbm>> -> memref<80xi32, #tpu.memory_space<hbm>>
      tpu.enqueue_dma source(%dma_start3A_274 : memref<80xi32, #tpu.memory_space<hbm>>) target(%arg10 : memref<80xi32, #tpu.memory_space<vmem>>) target_semaphore(%arg23 : memref<!tpu.dma_semaphore, #tpu.memory_space<semaphore_mem>>)
      %dma_start3A_275 = arith.constant 0 : i32
      %dma_start3A_276 = tpu.memref_slice %arg7[%add3A_265, %dma_start3A_275] : memref<125x80xi32, #tpu.memory_space<vmem>> -> memref<1x80xi32, #tpu.memory_space<vmem>>
      %dma_start3A_277 = tpu.memref_squeeze %dma_start3A_276 : memref<1x80xi32, #tpu.memory_space<vmem>> -> memref<80xi32, #tpu.memory_space<vmem>>
      %dma_start3A_278 = arith.constant 0 : i32
      %dma_start3A_279 = arith.constant 0 : i32
      %dma_start3A_280 = tpu.memref_slice %arg4[%dma_start3A_278, %dma_start3A_279] : memref<10000x128xbf16, #tpu.memory_space<hbm>> -> memref<10000x128xbf16, #tpu.memory_space<hbm>>
      tpu.enqueue_indirect_dma source(%dma_start3A_280 : memref<10000x128xbf16, #tpu.memory_space<hbm>>) target(%arg13 : memref<80x128xbf16, #tpu.memory_space<vmem>>) offsets(%dma_start3A_277 : memref<80xi32, #tpu.memory_space<vmem>>) semaphore(%arg17 : memref<!tpu.dma_semaphore, #tpu.memory_space<semaphore_mem>>)
      %dma_wait3A_281 = arith.constant 0 : i32
      %dma_wait3A_282 = arith.constant 0 : i32
      %dma_wait3A_283 = tpu.memref_slice %arg4[%dma_wait3A_281, %dma_wait3A_282] : memref<10000x128xbf16, #tpu.memory_space<hbm>> -> memref<10000x128xbf16, #tpu.memory_space<hbm>>
      tpu.wait_indirect_dma semaphore(%arg16 : memref<!tpu.dma_semaphore, #tpu.memory_space<semaphore_mem>>) src(%dma_wait3A_283 : memref<10000x128xbf16, #tpu.memory_space<hbm>>) dst(%arg12 : memref<80x128xbf16, #tpu.memory_space<vmem>>)
      %dma_wait3A_284 = arith.constant 0 : i32
      %dma_wait3A_285 = tpu.memref_slice %arg3[%add3A, %scan3A_101, %dma_wait3A_284] : memref<32x125x80xi32, #tpu.memory_space<hbm>> -> memref<1x1x80xi32, #tpu.memory_space<hbm>>
      %dma_wait3A_286 = tpu.memref_squeeze %dma_wait3A_285 : memref<1x1x80xi32, #tpu.memory_space<hbm>> -> memref<80xi32, #tpu.memory_space<hbm>>
      %dma_wait3A_287 = arith.constant 0 : i32
      %dma_wait3A_288 = tpu.memref_slice %arg3[%add3A, %scan3A_101, %dma_wait3A_287] : memref<32x125x80xi32, #tpu.memory_space<hbm>> -> memref<1x1x80xi32, #tpu.memory_space<hbm>>
      %dma_wait3A_289 = tpu.memref_squeeze %dma_wait3A_288 : memref<1x1x80xi32, #tpu.memory_space<hbm>> -> memref<80xi32, #tpu.memory_space<hbm>>
      tpu.wait_dma2 semaphore(%arg22 : memref<!tpu.dma_semaphore, #tpu.memory_space<semaphore_mem>>) src(%dma_wait3A_289 : memref<80xi32, #tpu.memory_space<hbm>>) dst(%arg9 : memref<80xi32, #tpu.memory_space<vmem>>)
      %dma_start3A_290 = arith.constant 0 : i32
      %dma_start3A_291 = arith.constant 0 : i32
      %dma_start3A_292 = tpu.memref_slice %arg14[%dma_start3A_290, %dma_start3A_291] : memref<10240x128xbf16, #tpu.memory_space<vmem_shared>> -> memref<10240x128xbf16, #tpu.memory_space<vmem_shared>>
      tpu.enqueue_indirect_dma source(%arg12 : memref<80x128xbf16, #tpu.memory_space<vmem>>) target(%dma_start3A_292 : memref<10240x128xbf16, #tpu.memory_space<vmem_shared>>) offsets(%arg9 : memref<80xi32, #tpu.memory_space<vmem>>) semaphore(%arg19 : memref<!tpu.dma_semaphore, #tpu.memory_space<semaphore_mem>>) {add = true}
    }
    %scan3A_106 = arith.constant 40 : i32
    %dma_wait3A_107 = arith.constant 0 : i32
    %dma_wait3A_108 = arith.constant 0 : i32
    %dma_wait3A_109 = tpu.memref_slice %arg14[%dma_wait3A_107, %dma_wait3A_108] : memref<10240x128xbf16, #tpu.memory_space<vmem_shared>> -> memref<10240x128xbf16, #tpu.memory_space<vmem_shared>>
    tpu.wait_indirect_dma semaphore(%arg18 : memref<!tpu.dma_semaphore, #tpu.memory_space<semaphore_mem>>) src(%arg11 : memref<80x128xbf16, #tpu.memory_space<vmem>>) dst(%dma_wait3A_109 : memref<10240x128xbf16, #tpu.memory_space<vmem_shared>>)
    %dma_start3A_110 = arith.constant 123 : i32
    %dma_start3A_111 = arith.constant 0 : i32
    %dma_start3A_112 = tpu.memref_slice %arg3[%add3A, %dma_start3A_110, %dma_start3A_111] : memref<32x125x80xi32, #tpu.memory_space<hbm>> -> memref<1x1x80xi32, #tpu.memory_space<hbm>>
    %dma_start3A_113 = tpu.memref_squeeze %dma_start3A_112 : memref<1x1x80xi32, #tpu.memory_space<hbm>> -> memref<80xi32, #tpu.memory_space<hbm>>
    %dma_start3A_114 = arith.constant 0 : i32
    %dma_start3A_115 = tpu.memref_slice %arg3[%add3A, %dma_start3A_110, %dma_start3A_114] : memref<32x125x80xi32, #tpu.memory_space<hbm>> -> memref<1x1x80xi32, #tpu.memory_space<hbm>>
    %dma_start3A_116 = tpu.memref_squeeze %dma_start3A_115 : memref<1x1x80xi32, #tpu.memory_space<hbm>> -> memref<80xi32, #tpu.memory_space<hbm>>
    tpu.enqueue_dma source(%dma_start3A_116 : memref<80xi32, #tpu.memory_space<hbm>>) target(%arg8 : memref<80xi32, #tpu.memory_space<vmem>>) target_semaphore(%arg21 : memref<!tpu.dma_semaphore, #tpu.memory_space<semaphore_mem>>)
    %dma_start3A_117 = arith.constant 123 : i32
    %dma_start3A_118 = arith.constant 0 : i32
    %dma_start3A_119 = tpu.memref_slice %arg7[%dma_start3A_117, %dma_start3A_118] : memref<125x80xi32, #tpu.memory_space<vmem>> -> memref<1x80xi32, #tpu.memory_space<vmem>>
    %dma_start3A_120 = tpu.memref_squeeze %dma_start3A_119 : memref<1x80xi32, #tpu.memory_space<vmem>> -> memref<80xi32, #tpu.memory_space<vmem>>
    %dma_start3A_121 = arith.constant 0 : i32
    %dma_start3A_122 = arith.constant 0 : i32
    %dma_start3A_123 = tpu.memref_slice %arg4[%dma_start3A_121, %dma_start3A_122] : memref<10000x128xbf16, #tpu.memory_space<hbm>> -> memref<10000x128xbf16, #tpu.memory_space<hbm>>
    tpu.enqueue_indirect_dma source(%dma_start3A_123 : memref<10000x128xbf16, #tpu.memory_space<hbm>>) target(%arg11 : memref<80x128xbf16, #tpu.memory_space<vmem>>) offsets(%dma_start3A_120 : memref<80xi32, #tpu.memory_space<vmem>>) semaphore(%arg15 : memref<!tpu.dma_semaphore, #tpu.memory_space<semaphore_mem>>)
    %dma_wait3A_124 = arith.constant 0 : i32
    %dma_wait3A_125 = arith.constant 0 : i32
    %dma_wait3A_126 = tpu.memref_slice %arg4[%dma_wait3A_124, %dma_wait3A_125] : memref<10000x128xbf16, #tpu.memory_space<hbm>> -> memref<10000x128xbf16, #tpu.memory_space<hbm>>
    tpu.wait_indirect_dma semaphore(%arg17 : memref<!tpu.dma_semaphore, #tpu.memory_space<semaphore_mem>>) src(%dma_wait3A_126 : memref<10000x128xbf16, #tpu.memory_space<hbm>>) dst(%arg13 : memref<80x128xbf16, #tpu.memory_space<vmem>>)
    %dma_wait3A_127 = arith.constant 0 : i32
    %dma_wait3A_128 = arith.constant 0 : i32
    %dma_wait3A_129 = tpu.memref_slice %arg3[%add3A, %dma_wait3A_127, %dma_wait3A_128] : memref<32x125x80xi32, #tpu.memory_space<hbm>> -> memref<1x1x80xi32, #tpu.memory_space<hbm>>
    %dma_wait3A_130 = tpu.memref_squeeze %dma_wait3A_129 : memref<1x1x80xi32, #tpu.memory_space<hbm>> -> memref<80xi32, #tpu.memory_space<hbm>>
    %dma_wait3A_131 = arith.constant 0 : i32
    %dma_wait3A_132 = tpu.memref_slice %arg3[%add3A, %dma_wait3A_127, %dma_wait3A_131] : memref<32x125x80xi32, #tpu.memory_space<hbm>> -> memref<1x1x80xi32, #tpu.memory_space<hbm>>
    %dma_wait3A_133 = tpu.memref_squeeze %dma_wait3A_132 : memref<1x1x80xi32, #tpu.memory_space<hbm>> -> memref<80xi32, #tpu.memory_space<hbm>>
    tpu.wait_dma2 semaphore(%arg23 : memref<!tpu.dma_semaphore, #tpu.memory_space<semaphore_mem>>) src(%dma_wait3A_133 : memref<80xi32, #tpu.memory_space<hbm>>) dst(%arg10 : memref<80xi32, #tpu.memory_space<vmem>>)
    %dma_start3A_134 = arith.constant 0 : i32
    %dma_start3A_135 = arith.constant 0 : i32
    %dma_start3A_136 = tpu.memref_slice %arg14[%dma_start3A_134, %dma_start3A_135] : memref<10240x128xbf16, #tpu.memory_space<vmem_shared>> -> memref<10240x128xbf16, #tpu.memory_space<vmem_shared>>
    tpu.enqueue_indirect_dma source(%arg13 : memref<80x128xbf16, #tpu.memory_space<vmem>>) target(%dma_start3A_136 : memref<10240x128xbf16, #tpu.memory_space<vmem_shared>>) offsets(%arg10 : memref<80xi32, #tpu.memory_space<vmem>>) semaphore(%arg20 : memref<!tpu.dma_semaphore, #tpu.memory_space<semaphore_mem>>) {add = true}
    %dma_wait3A_137 = arith.constant 0 : i32
    %dma_wait3A_138 = arith.constant 0 : i32
    %dma_wait3A_139 = tpu.memref_slice %arg14[%dma_wait3A_137, %dma_wait3A_138] : memref<10240x128xbf16, #tpu.memory_space<vmem_shared>> -> memref<10240x128xbf16, #tpu.memory_space<vmem_shared>>
    tpu.wait_indirect_dma semaphore(%arg19 : memref<!tpu.dma_semaphore, #tpu.memory_space<semaphore_mem>>) src(%arg12 : memref<80x128xbf16, #tpu.memory_space<vmem>>) dst(%dma_wait3A_139 : memref<10240x128xbf16, #tpu.memory_space<vmem_shared>>)
    %dma_start3A_140 = arith.constant 124 : i32
    %dma_start3A_141 = arith.constant 0 : i32
    %dma_start3A_142 = tpu.memref_slice %arg3[%add3A, %dma_start3A_140, %dma_start3A_141] : memref<32x125x80xi32, #tpu.memory_space<hbm>> -> memref<1x1x80xi32, #tpu.memory_space<hbm>>
    %dma_start3A_143 = tpu.memref_squeeze %dma_start3A_142 : memref<1x1x80xi32, #tpu.memory_space<hbm>> -> memref<80xi32, #tpu.memory_space<hbm>>
    %dma_start3A_144 = arith.constant 0 : i32
    %dma_start3A_145 = tpu.memref_slice %arg3[%add3A, %dma_start3A_140, %dma_start3A_144] : memref<32x125x80xi32, #tpu.memory_space<hbm>> -> memref<1x1x80xi32, #tpu.memory_space<hbm>>
    %dma_start3A_146 = tpu.memref_squeeze %dma_start3A_145 : memref<1x1x80xi32, #tpu.memory_space<hbm>> -> memref<80xi32, #tpu.memory_space<hbm>>
    tpu.enqueue_dma source(%dma_start3A_146 : memref<80xi32, #tpu.memory_space<hbm>>) target(%arg9 : memref<80xi32, #tpu.memory_space<vmem>>) target_semaphore(%arg22 : memref<!tpu.dma_semaphore, #tpu.memory_space<semaphore_mem>>)
    %dma_start3A_147 = arith.constant 124 : i32
    %dma_start3A_148 = arith.constant 0 : i32
    %dma_start3A_149 = tpu.memref_slice %arg7[%dma_start3A_147, %dma_start3A_148] : memref<125x80xi32, #tpu.memory_space<vmem>> -> memref<1x80xi32, #tpu.memory_space<vmem>>
    %dma_start3A_150 = tpu.memref_squeeze %dma_start3A_149 : memref<1x80xi32, #tpu.memory_space<vmem>> -> memref<80xi32, #tpu.memory_space<vmem>>
    %dma_start3A_151 = arith.constant 0 : i32
    %dma_start3A_152 = arith.constant 0 : i32
    %dma_start3A_153 = tpu.memref_slice %arg4[%dma_start3A_151, %dma_start3A_152] : memref<10000x128xbf16, #tpu.memory_space<hbm>> -> memref<10000x128xbf16, #tpu.memory_space<hbm>>
    tpu.enqueue_indirect_dma source(%dma_start3A_153 : memref<10000x128xbf16, #tpu.memory_space<hbm>>) target(%arg12 : memref<80x128xbf16, #tpu.memory_space<vmem>>) offsets(%dma_start3A_150 : memref<80xi32, #tpu.memory_space<vmem>>) semaphore(%arg16 : memref<!tpu.dma_semaphore, #tpu.memory_space<semaphore_mem>>)
    %dma_wait3A_154 = arith.constant 0 : i32
    %dma_wait3A_155 = arith.constant 0 : i32
    %dma_wait3A_156 = tpu.memref_slice %arg4[%dma_wait3A_154, %dma_wait3A_155] : memref<10000x128xbf16, #tpu.memory_space<hbm>> -> memref<10000x128xbf16, #tpu.memory_space<hbm>>
    tpu.wait_indirect_dma semaphore(%arg15 : memref<!tpu.dma_semaphore, #tpu.memory_space<semaphore_mem>>) src(%dma_wait3A_156 : memref<10000x128xbf16, #tpu.memory_space<hbm>>) dst(%arg11 : memref<80x128xbf16, #tpu.memory_space<vmem>>)
    %dma_wait3A_157 = arith.constant 0 : i32
    %dma_wait3A_158 = arith.constant 0 : i32
    %dma_wait3A_159 = tpu.memref_slice %arg3[%add3A, %dma_wait3A_157, %dma_wait3A_158] : memref<32x125x80xi32, #tpu.memory_space<hbm>> -> memref<1x1x80xi32, #tpu.memory_space<hbm>>
    %dma_wait3A_160 = tpu.memref_squeeze %dma_wait3A_159 : memref<1x1x80xi32, #tpu.memory_space<hbm>> -> memref<80xi32, #tpu.memory_space<hbm>>
    %dma_wait3A_161 = arith.constant 0 : i32
    %dma_wait3A_162 = tpu.memref_slice %arg3[%add3A, %dma_wait3A_157, %dma_wait3A_161] : memref<32x125x80xi32, #tpu.memory_space<hbm>> -> memref<1x1x80xi32, #tpu.memory_space<hbm>>
    %dma_wait3A_163 = tpu.memref_squeeze %dma_wait3A_162 : memref<1x1x80xi32, #tpu.memory_space<hbm>> -> memref<80xi32, #tpu.memory_space<hbm>>
    tpu.wait_dma2 semaphore(%arg21 : memref<!tpu.dma_semaphore, #tpu.memory_space<semaphore_mem>>) src(%dma_wait3A_163 : memref<80xi32, #tpu.memory_space<hbm>>) dst(%arg8 : memref<80xi32, #tpu.memory_space<vmem>>)
    %dma_start3A_164 = arith.constant 0 : i32
    %dma_start3A_165 = arith.constant 0 : i32
    %dma_start3A_166 = tpu.memref_slice %arg14[%dma_start3A_164, %dma_start3A_165] : memref<10240x128xbf16, #tpu.memory_space<vmem_shared>> -> memref<10240x128xbf16, #tpu.memory_space<vmem_shared>>
    tpu.enqueue_indirect_dma source(%arg11 : memref<80x128xbf16, #tpu.memory_space<vmem>>) target(%dma_start3A_166 : memref<10240x128xbf16, #tpu.memory_space<vmem_shared>>) offsets(%arg8 : memref<80xi32, #tpu.memory_space<vmem>>) semaphore(%arg18 : memref<!tpu.dma_semaphore, #tpu.memory_space<semaphore_mem>>) {add = true}
    %dma_wait3A_167 = arith.constant 0 : i32
    %dma_wait3A_168 = arith.constant 0 : i32
    %dma_wait3A_169 = tpu.memref_slice %arg4[%dma_wait3A_167, %dma_wait3A_168] : memref<10000x128xbf16, #tpu.memory_space<hbm>> -> memref<10000x128xbf16, #tpu.memory_space<hbm>>
    tpu.wait_indirect_dma semaphore(%arg16 : memref<!tpu.dma_semaphore, #tpu.memory_space<semaphore_mem>>) src(%dma_wait3A_169 : memref<10000x128xbf16, #tpu.memory_space<hbm>>) dst(%arg12 : memref<80x128xbf16, #tpu.memory_space<vmem>>)
    %dma_wait3A_170 = arith.constant 0 : i32
    %dma_wait3A_171 = arith.constant 0 : i32
    %dma_wait3A_172 = tpu.memref_slice %arg3[%add3A, %dma_wait3A_170, %dma_wait3A_171] : memref<32x125x80xi32, #tpu.memory_space<hbm>> -> memref<1x1x80xi32, #tpu.memory_space<hbm>>
    %dma_wait3A_173 = tpu.memref_squeeze %dma_wait3A_172 : memref<1x1x80xi32, #tpu.memory_space<hbm>> -> memref<80xi32, #tpu.memory_space<hbm>>
    %dma_wait3A_174 = arith.constant 0 : i32
    %dma_wait3A_175 = tpu.memref_slice %arg3[%add3A, %dma_wait3A_170, %dma_wait3A_174] : memref<32x125x80xi32, #tpu.memory_space<hbm>> -> memref<1x1x80xi32, #tpu.memory_space<hbm>>
    %dma_wait3A_176 = tpu.memref_squeeze %dma_wait3A_175 : memref<1x1x80xi32, #tpu.memory_space<hbm>> -> memref<80xi32, #tpu.memory_space<hbm>>
    tpu.wait_dma2 semaphore(%arg22 : memref<!tpu.dma_semaphore, #tpu.memory_space<semaphore_mem>>) src(%dma_wait3A_176 : memref<80xi32, #tpu.memory_space<hbm>>) dst(%arg9 : memref<80xi32, #tpu.memory_space<vmem>>)
    %dma_start3A_177 = arith.constant 0 : i32
    %dma_start3A_178 = arith.constant 0 : i32
    %dma_start3A_179 = tpu.memref_slice %arg14[%dma_start3A_177, %dma_start3A_178] : memref<10240x128xbf16, #tpu.memory_space<vmem_shared>> -> memref<10240x128xbf16, #tpu.memory_space<vmem_shared>>
    tpu.enqueue_indirect_dma source(%arg12 : memref<80x128xbf16, #tpu.memory_space<vmem>>) target(%dma_start3A_179 : memref<10240x128xbf16, #tpu.memory_space<vmem_shared>>) offsets(%arg9 : memref<80xi32, #tpu.memory_space<vmem>>) semaphore(%arg19 : memref<!tpu.dma_semaphore, #tpu.memory_space<semaphore_mem>>) {add = true}
    %dma_wait3A_180 = arith.constant 0 : i32
    %dma_wait3A_181 = arith.constant 0 : i32
    %dma_wait3A_182 = tpu.memref_slice %arg14[%dma_wait3A_180, %dma_wait3A_181] : memref<10240x128xbf16, #tpu.memory_space<vmem_shared>> -> memref<10240x128xbf16, #tpu.memory_space<vmem_shared>>
    tpu.wait_indirect_dma semaphore(%arg20 : memref<!tpu.dma_semaphore, #tpu.memory_space<semaphore_mem>>) src(%arg13 : memref<80x128xbf16, #tpu.memory_space<vmem>>) dst(%dma_wait3A_182 : memref<10240x128xbf16, #tpu.memory_space<vmem_shared>>)
    %dma_wait3A_183 = arith.constant 0 : i32
    %dma_wait3A_184 = arith.constant 0 : i32
    %dma_wait3A_185 = tpu.memref_slice %arg14[%dma_wait3A_183, %dma_wait3A_184] : memref<10240x128xbf16, #tpu.memory_space<vmem_shared>> -> memref<10240x128xbf16, #tpu.memory_space<vmem_shared>>
    tpu.wait_indirect_dma semaphore(%arg18 : memref<!tpu.dma_semaphore, #tpu.memory_space<semaphore_mem>>) src(%arg11 : memref<80x128xbf16, #tpu.memory_space<vmem>>) dst(%dma_wait3A_185 : memref<10240x128xbf16, #tpu.memory_space<vmem_shared>>)
    %dma_wait3A_186 = arith.constant 0 : i32
    %dma_wait3A_187 = arith.constant 0 : i32
    %dma_wait3A_188 = tpu.memref_slice %arg14[%dma_wait3A_186, %dma_wait3A_187] : memref<10240x128xbf16, #tpu.memory_space<vmem_shared>> -> memref<10240x128xbf16, #tpu.memory_space<vmem_shared>>
    tpu.wait_indirect_dma semaphore(%arg19 : memref<!tpu.dma_semaphore, #tpu.memory_space<semaphore_mem>>) src(%arg12 : memref<80x128xbf16, #tpu.memory_space<vmem>>) dst(%dma_wait3A_188 : memref<10240x128xbf16, #tpu.memory_space<vmem_shared>>)
    %barrier3A_189 = arith.constant 0 : index
    tpu.barrier barrier_id(%barrier3A_189)
    %mul3A_190 = arith.constant 10240 : i32
    %mul3A_191 = arith.muli %arg0, %mul3A_190 : i32
    %add3A_192 = arith.addi %mul3A_191, %mul3A_2 : i32
    "tpu.region"() ({
      %run_scoped3A = tpu.sem_alloc : memref<!tpu.dma_semaphore, #tpu.memory_space<semaphore_mem>>
      %dma_start3A_193 = arith.constant 0 : i32
      %dma_start3A_194 = tpu.memref_slice %arg6[%add3A_192, %dma_start3A_193] : memref<20480x128xbf16, #tpu.memory_space<hbm>> -> memref<640x128xbf16, #tpu.memory_space<hbm>>
      %dma_start3A_195 = arith.constant 0 : i32
      %dma_start3A_196 = tpu.memref_slice %arg14[%mul3A_2, %dma_start3A_195] : memref<10240x128xbf16, #tpu.memory_space<vmem_shared>> -> memref<640x128xbf16, #tpu.memory_space<vmem_shared>>
      tpu.enqueue_dma source(%dma_start3A_196 : memref<640x128xbf16, #tpu.memory_space<vmem_shared>>) target(%dma_start3A_194 : memref<640x128xbf16, #tpu.memory_space<hbm>>) target_semaphore(%run_scoped3A : memref<!tpu.dma_semaphore, #tpu.memory_space<semaphore_mem>>)
      %dma_wait3A_197 = arith.constant 0 : i32
      %dma_wait3A_198 = tpu.memref_slice %arg6[%add3A_192, %dma_wait3A_197] : memref<20480x128xbf16, #tpu.memory_space<hbm>> -> memref<640x128xbf16, #tpu.memory_space<hbm>>
      %dma_wait3A_199 = arith.constant 0 : i32
      %dma_wait3A_200 = tpu.memref_slice %arg14[%mul3A_2, %dma_wait3A_199] : memref<10240x128xbf16, #tpu.memory_space<vmem_shared>> -> memref<640x128xbf16, #tpu.memory_space<vmem_shared>>
      tpu.wait_dma2 semaphore(%run_scoped3A : memref<!tpu.dma_semaphore, #tpu.memory_space<semaphore_mem>>) src(%dma_wait3A_200 : memref<640x128xbf16, #tpu.memory_space<vmem_shared>>) dst(%dma_wait3A_198 : memref<640x128xbf16, #tpu.memory_space<hbm>>)
      tpu.yield
    }) : () -> ()
    return
  }
}

module attributes {stable_mosaic.version = 14 : i64} {
  func.func @body(%arg0: i32, %arg1: memref<1000x128xbf16, #tpu.memory_space<vmem>>, %arg2: memref<1000x128xbf16, #tpu.memory_space<vmem>>, %arg3: memref<1000x128xf32, #tpu.memory_space<vmem>>) attributes {dimension_semantics = [#tpu.dimension_semantics<arbitrary>], iteration_bounds = array<i64: 10>, scalar_prefetch = 0 : i64, scratch_operands = 0 : i64, tpu.core_type = #tpu.core_type<tc>, window_params = [{transform_indices = @transform_0, window_bounds = array<i64: 1000, 128>}, {transform_indices = @transform_1, window_bounds = array<i64: 1000, 128>}, {transform_indices = @transform_2, window_bounds = array<i64: 1000, 128>}]} {
    %get3A = arith.constant 0 : index
    %get3A_0 = arith.constant 0 : index
    %get3A_1 = vector.load %arg1[%get3A, %get3A_0] : memref<1000x128xbf16, #tpu.memory_space<vmem>>, vector<1000x128xbf16>
    %convert_element_type3A = arith.extf %get3A_1 : vector<1000x128xbf16> to vector<1000x128xf32>
    %get3A_2 = arith.constant 0 : index
    %get3A_3 = arith.constant 0 : index
    %get3A_4 = vector.load %arg2[%get3A_2, %get3A_3] : memref<1000x128xbf16, #tpu.memory_space<vmem>>, vector<1000x128xbf16>
    %convert_element_type3A_5 = arith.extf %get3A_4 : vector<1000x128xbf16> to vector<1000x128xf32>
    %add3A = arith.addf %convert_element_type3A, %convert_element_type3A_5 : vector<1000x128xf32>
    %swap3A = arith.constant 0 : index
    %swap3A_6 = arith.constant 0 : index
    %swap3A_7 = vector.load %arg3[%swap3A, %swap3A_6] : memref<1000x128xf32, #tpu.memory_space<vmem>>, vector<1000x128xf32>
    tpu.vector_store %arg3[%swap3A, %swap3A_6], %add3A {strides = array<i32>} : memref<1000x128xf32, #tpu.memory_space<vmem>>, vector<1000x128xf32>,
    return
  }
  func.func @transform_0(%arg0: i32) -> (i32, i32) {
    %c0_i32 = arith.constant 0 : i32
    %c0_i32_0 = arith.constant 0 : i32
    return %arg0, %c0_i32 : i32, i32
  }
  func.func @transform_1(%arg0: i32) -> (i32, i32) {
    %c0_i32 = arith.constant 0 : i32
    %c0_i32_0 = arith.constant 0 : i32
    return %arg0, %c0_i32 : i32, i32
  }
  func.func @transform_2(%arg0: i32) -> (i32, i32) {
    %c0_i32 = arith.constant 0 : i32
    %c0_i32_0 = arith.constant 0 : i32
    return %arg0, %c0_i32 : i32, i32
  }
}

</mosaic_0001>

<sc_bundles>
// kernel: kernel.4.cloned.1.call-start
scs
__scs_entry_jumppad:
0x0: {  	(pc) =	sbr.rel $0x88, $3  }
0x1: {  	(tag) =	ssettag $0x0;
	lr =	simm.s32 $0x1  }
0x2: {  	[smem:$0x3F9F] =	sst lr;
	_ =	strace $0xD0000000  }
0x3: {  	_ = 	snop  }
0x4: {  	_ = 	snop  }
0x5: {  	_ = 	snop  }
0x6: {  	_ = 	snop  }
0x7: {  	_ = 	snop  }
__scs_overlays_trampoline_lowered:
0x8: {  	[smem:$0x3FAE] =	sst s0  }
0x9: {  	[smem:$0x3FAF] =	sst s1  }
0xa: {  	[smem:$0x3FB0] =	sst s2  }
0xb: {  	[smem:$0x3FB1] =	sst s3  }
0xc: {  	[smem:$0x3FB2] =	sst s4  }
0xd: {  	[smem:$0x3FB3] =	sst s5  }
0xe: {  	[smem:$0x3FB4] =	sst s6  }
0xf: {  	[smem:$0x3FB5] =	sst s7  }
0x10: {  	[smem:$0x3FB6] =	sst s8  }
0x11: {  	[smem:$0x3FB7] =	sst s9;
	s0 =	simm.s32 @!p0 $0x0  }
0x12: {  	s1 =	sld [smem:$0x3F9D];
	s0 =	simm.s32 @p0 $0x1  }
0x13: {  	[smem:$0x3FB8] =	sst s0;
	s0 =	simm.s32 @!p1 $0x0  }
0x14: {  	s2 =	sld [smem:$0x3F9C];
	s0 =	simm.s32 @p1 $0x1  }
0x15: {  	[smem:$0x3FB9] =	sst s0;
	s0 =	simm.s32 @!p2 $0x0  }
0x16: {  	s3 =	sld [smem:$0x3FDB];
	s0 =	simm.s32 @p2 $0x1  }
0x17: {  	s4 =	simm.s32 $0x1BF5;
	[smem:$0x3FBB] =	sst s0  }
0x18: {  	s0 =	sld [smem:$0x3F9E];
	_ =	swait.ge [sflag:s4], $0x0  }
0x19: {  	s7 =	sld [smem:$0x3F9F]  }
0x1a: {  	s8 =	sadd.s32 $0xFFFFE003, lr  }
0x1b: {  	s9 =	sadd.s32 $0xFFFFFEF7, lr;
	s5 =	simm.s32 $0xFFFFFFFF;
	p2 =	slt.u32 s8, $0xFFFFF086  }
0x1c: {  	p1 =	slt.u32 s9, $0xF7A;
	s5 =	simm.s32 @!p2 $0x0  }
0x1d: {  	s5 =	simm.s32 @p1 $0x1;
	p0 =	seq.s32 s7, s2  }
0x1e: {  	s7 =	smul.u32 @!p0 $0xF7A, s2;
	p2 =	seq.s32 @!p0 s5, $0x0  }
0x1f: {  	s9 =	smul.u32 $0xF7A, s1;
	s8 =	simm.s32 @!p0 $0x1BF5;
	p2 =	por !p2, p0  }
0x20: {  	[sflag:s8] =	ssyncset.s32 @!p0 $0xFFFFF086;
	s6 =	sadd.s32 @!p0 s3, s7;
	s7 =	simm.s32 @!p0 $0x108  }
0x21: {  	s3 =	sadd.s32 s3, s9;
	s6 =	sadd.s32 @!p0 $0x88, s6;
	s7 =	simm.s32 @p2 $0x1082  }
0x22: {  	[simem:s7], [sflag:s8] =	dma.local @!p0 [hbm:s6], $0xF7A  }
0x23: {  	s9 =	sor.u32 $0xD0000000, s2;
	s6 =	simm.s32 $0x108;
	_ =	swait.ge @!p0 [sflag:s8], $0x0  }
0x24: {  	s3 =	sadd.s32 $0x88, s3;
	s6 =	simm.s32 @!p1 $0x1082;
	[sflag:s4] =	ssyncset.s32 $0xFFFFF086  }
0x25: {  	[simem:s6], [sflag:s4] =	dma.local [hbm:s3], $0xF7A  }
0x26: {  	[smem:$0x3F9F] =	sst s1;
	(tag) =	ssettag s2;
	_ =	strace s9  }
0x27: {  	s1 =	sld [smem:$0x3FAF]  }
0x28: {  	s2 =	sld [smem:$0x3FB0]  }
0x29: {  	s4 =	sld [smem:$0x3FB2]  }
0x2a: {  	p0 =	seq.s32 s5, $0x0;
	s5 =	sld [smem:$0x3FB3]  }
0x2b: {  	s6 =	sld [smem:$0x3FB4]  }
0x2c: {  	s7 =	sld [smem:$0x3FB5]  }
0x2d: {  	s3 =	simm.s32 $0x108;
	s8 =	sld [smem:$0x3FB6]  }
0x2e: {  	s3 =	simm.s32 @!p0 $0x1082;
	s9 =	sld [smem:$0x3FB7]  }
0x2f: {  	lr =	sadd.s32 s0, s3;
	s0 =	sld [smem:$0x3FAE]  }
0x30: {  	s3 =	sld [smem:$0x3FB1]  }
0x31: {  	[smem:$0x3FBA] =	sst s10  }
0x32: {  	s10 =	sld [smem:$0x3FB8];
	_ =	sdelay $0x3  }
0x33: {  	p0 =	seq.s32 s10, $0x1;
	s10 =	sld [smem:$0x3FBA];
	_ =	sdelay $0x3  }
0x34: {  	[smem:$0x3FBA] =	sst s10  }
0x35: {  	s10 =	sld [smem:$0x3FB9];
	_ =	sdelay $0x3  }
0x36: {  	p1 =	seq.s32 s10, $0x1;
	s10 =	sld [smem:$0x3FBA];
	_ =	sdelay $0x3  }
0x37: {  	[smem:$0x3FBA] =	sst s10  }
0x38: {  	s10 =	sld [smem:$0x3FBB]  }
0x39: {  	_ = 	snop;
	(pc) =	sbr.ind lr, $3  }
0x3a: {  	_ = 	snop  }
0x3b: {  	_ = 	snop  }
0x3c: {  	p2 =	seq.s32 s10, $0x1;
	s10 =	sld [smem:$0x3FBA]  }
0x3d: {  	_ =	shalt  }
0x3e: {  	_ =	shalt  }
0x3f: {  	_ =	shalt  }
0x40: {  	_ =	shalt  }
0x41: {  	_ =	shalt  }
0x42: {  	_ =	shalt  }
0x43: {  	_ =	shalt  }
0x44: {  	_ =	shalt  }
0x45: {  	_ =	shalt  }
0x46: {  	_ =	shalt  }
0x47: {  	_ =	shalt  }
0x48: {  	_ =	shalt  }
0x49: {  	_ =	shalt  }
0x4a: {  	_ =	shalt  }
0x4b: {  	_ =	shalt  }
0x4c: {  	_ =	shalt  }
0x4d: {  	_ =	shalt  }
0x4e: {  	_ =	shalt  }
0x4f: {  	_ =	shalt  }
0x50: {  	_ =	shalt  }
0x51: {  	_ =	shalt  }
0x52: {  	_ =	shalt  }
0x53: {  	_ =	shalt  }
0x54: {  	_ =	shalt  }
0x55: {  	_ =	shalt  }
0x56: {  	_ =	shalt  }
0x57: {  	_ =	shalt  }
0x58: {  	_ =	shalt  }
0x59: {  	_ =	shalt  }
0x5a: {  	_ =	shalt  }
0x5b: {  	_ =	shalt  }
0x5c: {  	_ =	shalt  }
0x5d: {  	_ =	shalt  }
0x5e: {  	_ =	shalt  }
0x5f: {  	_ =	shalt  }
0x60: {  	_ =	shalt  }
0x61: {  	_ =	shalt  }
0x62: {  	_ =	shalt  }
0x63: {  	_ =	shalt  }
0x64: {  	_ =	shalt  }
0x65: {  	_ =	shalt  }
0x66: {  	_ =	shalt  }
0x67: {  	_ =	shalt  }
0x68: {  	_ =	shalt  }
0x69: {  	_ =	shalt  }
0x6a: {  	_ =	shalt  }
0x6b: {  	_ =	shalt  }
0x6c: {  	_ =	shalt  }
0x6d: {  	_ =	shalt  }
0x6e: {  	_ =	shalt  }
0x6f: {  	_ =	shalt  }
0x70: {  	_ =	shalt  }
0x71: {  	_ =	shalt  }
0x72: {  	_ =	shalt  }
0x73: {  	_ =	shalt  }
0x74: {  	_ =	shalt  }
0x75: {  	_ =	shalt  }
0x76: {  	_ =	shalt  }
0x77: {  	_ =	shalt  }
0x78: {  	_ =	shalt  }
0x79: {  	_ =	shalt  }
0x7a: {  	_ =	shalt  }
0x7b: {  	_ =	shalt  }
0x7c: {  	_ =	shalt  }
0x7d: {  	_ =	shalt  }
0x7e: {  	_ =	shalt  }
0x7f: {  	_ =	shalt  }
0x80: {  	_ =	shalt  }
0x81: {  	_ =	shalt  }
0x82: {  	_ =	shalt  }
0x83: {  	_ =	shalt  }
0x84: {  	_ =	shalt  }
0x85: {  	_ =	shalt  }
0x86: {  	_ =	shalt  }
0x87: {  	_ =	shalt  }
.Lfunc_end0:
.L_simem_size_0:
called_computation_lowered:
.L_overlay_start_0:
0x88: {  	s2 =	sld [smem:$0x3FD9]  }
0x89: {  	s3 =	sld [smem:$0x3FFE];
	_ =	sdelay $0x1  }
0x8a: {  	s1 =	srdreg.scid  }
0x8b: {  	s0 =	sand.u32 $0x1, s1  }
0x8c: {  	s17 =	sshll.u32 s0, $0xA;
	s2 =	sadd.s32 s3, s2  }
0x8d: {  	s2 =	sadd.s32 s2, s17  }
0x8e: {  	[smem:$0x3FC6] =	sst s2  }
0x8f: {  	_ = 	snop  }
0x90: {  	s2 =	sld [smem:$0x3FD0];
	(tm) =	ssettm $0x1  }
0x91: {  	s18 =	sld [smem:$0x3FFB];
	_ =	sdelay $0x3  }
0x92: {  	_ =	strace s18  }
0x93: {  	s3 =	sld [smem:$0x3FFC];
	_ =	sdelay $0x3  }
0x94: {  	_ =	strace s3  }
0x95: {  	s3 =	sld [smem:$0x3FFD];
	_ =	sdelay $0x3  }
0x96: {  	_ =	strace s3  }
0x97: {  	_ =	strace $0x8FFFFFFF  }
0x98: {  	s19 =	sld [smem:$0x3FDB];
	_ =	sdelay $0x1  }
0x99: {  	s4 =	simm.s32 $_scs_section_size  }
0x9a: {  	s5 =	simm.s32 $_size__tile_overlayer_lowered;
	s6 =	simm.s32 $_tile_overlayer_lowered  }
0x9b: {  	s22 =	simm.s32 $0x1BFF;
	s21 =	sshll.u32 s6, $0x1;
	s3 =	sadd.s32 s4, s19  }
0x9c: {  	s7 =	simm.s32 $0x0;
	s20 =	sshll.u32 s5, $0x1;
	s5 =	sadd.s32 s21, s3  }
0x9d: {  	[timem:s7], [sflag:s22] =	dma.local [hbm:s5], s20  }
0x9e: {  	_ =	swait.ge [sflag:s22], s20  }
0x9f: {  	s4 =	ssub.s32 $0x0, s20;
	[sflag:s22] =	ssyncset.done $0x0  }
0xa0: {  	[sflag:s22] =	ssyncadd.s32 s4;
	_ =	sdelay $0x1  }
0xa1: {  	s23 =	simm.s32 $0x1B8B  }
0xa2: {  	_ =	swait.ge [sflag:s23], $0x1  }
0xa3: {  	[sflag:s23] =	ssyncset.done $0x0  }
0xa4: {  	s25 =	simm.s32 $0x1B8E;
	s24 =	sld [smem:$0x3FFE];
	[sflag:s23] =	ssyncadd.s32 $0xFFFFFFFF  }
0xa5: {  	s26 =	simm.s32 $execute0_lowered;
	[smem:$0x3FD2] =	sst s25  }
0xa6: {  	s5 =	sshll.u32 s26, $0x1;
	_ =	strace $0x80000046;
	[dreg:$0x1] =	wrdreg $0xFFFFFFFF  }
0xa7: {  	s28 =	simm.s32 $_size_execute0_lowered;
	s3 =	sadd.s32 s3, s5;
	[dreg:$0x0] =	wrdreg $0x0  }
0xa8: {  	s5 =	sshll.u32 s28, $0x1;
	[dreg:$0x2] =	wrdreg s3  }
0xa9: {  	[dreg:$0x3] =	wrdreg s5  }
0xaa: {  	[dreg:$0x4] =	wrdreg $0xC0  }
0xab: {  	_ =	task [dreg:s7], $0x5FFFF  }
0xac: {  	[dreg:$0x1] =	wrdreg $0xFFFFFFFF  }
0xad: {  	[dreg:$0x0] =	wrdreg $0x60  }
0xae: {  	[dreg:$0x2] =	wrdreg s24  }
0xaf: {  	[dreg:$0x3] =	wrdreg s2  }
0xb0: {  	[dreg:$0x4] =	wrdreg $0x64000  }
0xb1: {  	[dreg:$0x5] =	wrdreg $0x9  }
0xb2: {  	_ =	task.clear_ibuf [dreg:s7], $0x6FFFF;
	_ =	strace $0x90000046  }
0xb3: {  	s29 =	simm.s32 $0x9;
	_ =	strace $0x80000048  }
0xb4: {  	_ =	swait.ge [sflag:s29], $0x1  }
0xb5: {  	[sflag:s29] =	ssyncadd.s32 $0xFFFFFFFF  }
0xb6: {  	_ =	strace $0x90000048  }
0xb7: {  	_ =	sfence  }
0xb8: {  	s30 =	sld [smem:$0x0];
	_ =	sdelay $0x2  }
0xb9: {  	s31 =	sshll.u32 s1, $0xD;
	s1 =	sshrl.u32 s1, $0x2  }
0xba: {  	s3 =	sand.u32 $0x4000, s31;
	s1 =	sadd.s32 s1, s30  }
0xbb: {  	s0 =	sor.u32 s3, s0;
	s1 =	sshll.u32 s1, $0x11  }
0xbc: {  	s0 =	sor.u32 s1, s0  }
0xbd: {  	s0 =	sadd.s32 $0x8F2B, s0  }
0xbe: {  	[sflag:s0] =	ssyncadd.remote.s32 $0x1  }
0xbf: {  	_ =	sfence.sel $0xFFFF  }
0xc0: {  	[dreg:$0x0] =	wrdreg $0xFFFFFFFF;
	(pc) =	sbr.abs _section_cstart, $3  }
0xc1: {  	[dreg:$0x1] =	wrdreg $0xFFFFFFFF  }
0xc2: {  	_ =	task.clear_ibuf [dreg:s7], $0x2FFFF;
	_ =	strace $0x9FFFFFFF  }
0xc3: {  	(tm) =	ssettm $0x7FFFFFFF  }
tec
execute0_lowered:
.L_overlay_start_1:
0x0: {  	(tag) =	ssettag $0x1  }
0x1: {  	s1 =	rddreg [dreg:$0x0]  }
0x2: {  	s0 =	srdreg.scid;
	s3 =	rddreg [dreg:$0x1]  }
0x3: {  	s15 =	stileid.u32;
	s4 =	rddreg [dreg:$0x2]  }
0x4: {  	s5 =	simm.s32 $0x0;
	s28 =	simm.s32 $0x50;
	s29 =	simm.s32 $0x2800  }
0x5: {  	s30 =	simm.s32 $0x2760;
	s31 =	simm.s32 $0x3C00;
	s7 =	smul.u32 $0x1400, s15  }
0x6: {  	s0 =	sand.u32 $0x1, s0;
	s2 =	sshll.u32 s15, $0x1;
	s9 =	smul.u32 $0x28000, s15  }
0x7: {  	[smem:$0x7FF] =	sst s5;
	s12 =	sshll.u32 s15, $0x6;
	s15 =	smul.u32 $0x4E20, s15  }
0x8: {  	s6 =	sadd.s32 $0x400, s1;
	s2 =	sor.u32 s0, s2;
	s8 =	smul.u32 $0x14000, s0  }
0x9: {  	_ =	strace $0x80000047;
	s24 =	ssub.s32 $0x2, s0;
	s0 =	smul.u32 $0x2710, s0  }
0xa: {  	[dreg:$0x4] =	wrdreg s12;
	s2 =	smul.u32 $0x2710, s2;
	s9 =	sshrl.u32 s9, $0x2  }
0xb: {  	s11 =	sshrl.u32 s24, $0x1;
	s7 =	sadd.s32 s7, s8;
	s9 =	sadd.s32 s9, s4  }
0xc: {  	s11 =	ssub.s32 s24, s11;
	s8 =	sor.u32 $0x1C0A, s12;
	s0 =	sadd.s32 s0, s15  }
0xd: {  	s12 =	simm.s32 $0x2;
	s15 =	simm.s32 $0x3;
	s2 =	sshrl.u32 s2, $0x3  }
0xe: {  	s7 =	sadd.s32 s7, s1;
	s25 =	sadd.s32 $0x2000, s9;
	s13 =	sadd.s32 $0x4000, s9  }
0xf: {  	s14 =	sadd.s32 $0x6000, s9;
	s19 =	sadd.s32 $0x190, s0;
	s21 =	smax.u32 s11, $0x1  }
0x10: {  	s20 =	sadd.s32 $0x140, s0;
	s0 =	sadd.s32 $0xF0, s0;
	[dreg:$0xc] =	wrdreg s21  }
0x11: {  	s10 =	sadd.s32 s2, s1;
	s2 =	sadd.s32 s6, s2;
	[dreg:$0xf] =	wrdreg s0  }
0x12: {  	s16 =	sadd.s32 $0x8000, s9;
	s18 =	sadd.s32 $0x14000, s7;
	[dreg:$0x5] =	wrdreg s2  }
0x13: {  	s11 =	simm.s32 $0x7;
	s23 =	sshrl.u32 s25, $0x3;
	[dreg:$0xb] =	wrdreg s18  }
0x14: {  	s7 =	sshrl.u32 s20, $0x3;
	s24 =	sshrl.u32 s13, $0x3;
	[dreg:$0x10] =	wrdreg s23  }
0x15: {  	s25 =	sshrl.u32 s14, $0x3;
	s0 =	simm.s32 $0x5000;
	[dreg:$0x11] =	wrdreg s24  }
0x16: {  	s13 =	simm.s32 $0x8;
	s10 =	sadd.s32 $0xA200, s10;
	[dreg:$0x12] =	wrdreg s25  }
0x17: {  	s14 =	simm.s32 $0x4;
	s26 =	sadd.s32 $0xA, s2;
	[dreg:$0x6] =	wrdreg s10  }
0x18: {  	s21 =	simm.s32 $0x5;
	s1 =	sadd.s32 $0x14, s2;
	[dreg:$0x7] =	wrdreg s26  }
0x19: {  	s17 =	sadd.s32 $0x4CE, s2;
	s2 =	sadd.s32 $0x4D8, s2;
	[dreg:$0x8] =	wrdreg s1  }
0x1a: {  	s22 =	sadd.s32 s7, s6;
	s25 =	simm.s32 $0xB;
	[dreg:$0x9] =	wrdreg s17  }
0x1b: {  	s7 =	simm.s32 $0xA;
	s23 =	simm.s32 $0x0;
	[dreg:$0xa] =	wrdreg s2  }
0x1c: {  	s2 =	sshrl.u32 s19, $0x3;
	[dreg:$0xe] =	wrdreg s22;
	s17 =	sshrl.u32 s9, $0x3  }
0x1d: {  	s26 =	sshrl.u32 s16, $0x3;
	s10 =	simm.s32 $0x1;
	s16 =	simm.s32 $0x9  }
0x1e: {  	s22 =	simm.s32 $0x6;
	s2 =	sadd.s32 s2, s6;
	[dreg:$0x13] =	wrdreg s26  }
0x1f: {  	s26 =	simm.s32 $0x2710;
	[dreg:$0xd] =	wrdreg s2;
	s2 =	simm.s32 $0x27B0  }
.LBB2_1:
0x20: {  	s9 =	rddreg [dreg:$0x0]  }
0x21: {  	[spmem:s17], [sflag:s8] =	dma.local [hbm:s9], $0x400  }
0x22: {  	s1 =	smov.u32 s17;
	s17 =	rddreg [dreg:$0x10]  }
0x23: {  	[spmem:s17], [sflag:s8] =	dma.local [hbm:s9], $0x400  }
0x24: {  	s17 =	rddreg [dreg:$0x11]  }
0x25: {  	[spmem:s17], [sflag:s8] =	dma.local [hbm:s9], $0x400  }
0x26: {  	s17 =	rddreg [dreg:$0x12]  }
0x27: {  	[spmem:s17], [sflag:s8] =	dma.local [hbm:s9], $0x400  }
0x28: {  	s17 =	rddreg [dreg:$0x13]  }
0x29: {  	[spmem:s17], [sflag:s8] =	dma.local [hbm:s9], $0x400  }
0x2a: {  	s9 =	rddreg [dreg:$0x6]  }
0x2b: {  	[tilespmem:s5], [sflag:$0xB] =	stream.linear.gather [hbm4b:s9+s5], $0x2710, $0x38;
	[tilespmem:$0x10400] =	vst v63  }
0x2c: {  	_ =	swait.ge [sflag:s25], $0x2710  }
0x2d: {  	[sflag:s25] =	ssyncset.done $0x0  }
0x2e: {  	s24 =	rddreg [dreg:$0x5];
	[sflag:s25] =	ssyncadd.s32 $0xFFFFD8F0  }
0x2f: {  	[tilespmem:s26], [sflag:$0x7] =	stream.linear.gather [hbm4b:s24+s5], $0x50, $0x38;
	[tilespmem:$0x10400] =	vst v63  }
0x30: {  	_ = 	snop  }
0x31: {  	[tilespmem:s29], [sflag:$0x1] =	stream.indirect.gather [hbm4b:s3+s28], $0x40, s5, s28, $0xb8;
	[tilespmem:$0x10400] =	vst v63  }
0x32: {  	s17 =	rddreg [dreg:$0x7]  }
0x33: {  	[tilespmem:s30], [sflag:$0x8] =	stream.linear.gather [hbm4b:s17+s5], $0x50, $0x38;
	[tilespmem:$0x10400] =	vst v63  }
0x34: {  	_ = 	snop  }
0x35: {  	[tilespmem:s31], [sflag:$0x2] =	stream.indirect.gather [hbm4b:s3+s28], $0x40, s28, s28, $0xb8;
	[tilespmem:$0x10400] =	vst v63  }
0x36: {  	s18 =	rddreg [dreg:$0x8]  }
0x37: {  	[tilespmem:s2], [sflag:$0x9] =	stream.linear.gather [hbm4b:s18+s5], $0x50, $0x38;
	[tilespmem:$0x10400] =	vst v63  }
0x38: {  	s19 =	simm.s32 $0xA0  }
0x39: {  	[tilespmem:s0], [sflag:$0x3] =	stream.indirect.gather [hbm4b:s3+s28], $0x40, s19, s28, $0xb8;
	[tilespmem:$0x10400] =	vst v63  }
0x3a: {  	_ =	swait.ge [sflag:s7], $0x400  }
0x3b: {  	[sflag:s7] =	ssyncset.done $0x0  }
0x3c: {  	[sflag:s7] =	ssyncadd.s32 $0xFFFFFC00  }
0x3d: {  	_ =	swait.ge [sflag:s7], $0x400  }
0x3e: {  	[sflag:s7] =	ssyncset.done $0x0  }
0x3f: {  	[sflag:s7] =	ssyncadd.s32 $0xFFFFFC00  }
0x40: {  	_ =	swait.ge [sflag:s7], $0x400  }
0x41: {  	[sflag:s7] =	ssyncset.done $0x0  }
0x42: {  	[sflag:s7] =	ssyncadd.s32 $0xFFFFFC00  }
0x43: {  	_ =	swait.ge [sflag:s7], $0x400  }
0x44: {  	[sflag:s7] =	ssyncset.done $0x0  }
0x45: {  	[sflag:s7] =	ssyncadd.s32 $0xFFFFFC00  }
0x46: {  	_ =	swait.ge [sflag:s7], $0x400  }
0x47: {  	[sflag:s7] =	ssyncset.done $0x0  }
0x48: {  	[sflag:s7] =	ssyncadd.s32 $0xFFFFFC00  }
0x49: {  	[bflag:$0x0] =	sbarrier.arrive $0xFFFF  }
0x4a: {  	_ =	swait.ge [sflag:s10], $0x1400  }
0x4b: {  	[sflag:s10] =	ssyncset.done $0x0  }
0x4c: {  	[sflag:s10] =	ssyncadd.s32 $0xFFFFEC00  }
0x4d: {  	_ =	swait.ge [sflag:s11], $0x50  }
0x4e: {  	[sflag:s11] =	ssyncset.done $0x0  }
0x4f: {  	[sflag:s11] =	ssyncadd.s32 $0xFFFFFFB0  }
0x50: {  	[spmem:s4] =	stream.indirect.scatter.add.bf16 [tilespmem:s29], [sflag:$0x4], $0x40, s26, s28, $0xb8;
	[tilespmem:$0x10400] =	vst v63  }
0x51: {  	_ =	swait.ge [sflag:s12], $0x1400  }
0x52: {  	[sflag:s12] =	ssyncset.done $0x0  }
0x53: {  	[sflag:s12] =	ssyncadd.s32 $0xFFFFEC00  }
0x54: {  	_ =	swait.ge [sflag:s13], $0x50  }
0x55: {  	[sflag:s13] =	ssyncset.done $0x0  }
0x56: {  	[sflag:s13] =	ssyncadd.s32 $0xFFFFFFB0  }
0x57: {  	[spmem:s4] =	stream.indirect.scatter.add.bf16 [tilespmem:s31], [sflag:$0x5], $0x40, s30, s28, $0xb8;
	[tilespmem:$0x10400] =	vst v63  }
0x58: {  	_ =	swait.ge [sflag:s14], $0x1400  }
0x59: {  	s19 =	rddreg [dreg:$0xf]  }
0x5a: {  	[sflag:s14] =	ssyncset.done $0x0;
	s20 =	sshrl.u32 s19, $0x3  }
0x5b: {  	[sflag:s14] =	ssyncadd.s32 $0xFFFFEC00;
	s9 =	sadd.s32 s6, s20  }
0x5c: {  	[tilespmem:s26], [sflag:$0x7] =	stream.linear.gather [hbm4b:s9+s5], $0x50, $0x38;
	[tilespmem:$0x10400] =	vst v63  }
0x5d: {  	s24 =	simm.s32 $0xF0  }
0x5e: {  	[tilespmem:s29], [sflag:$0x1] =	stream.indirect.gather [hbm4b:s3+s28], $0x40, s24, s28, $0xb8;
	[tilespmem:$0x10400] =	vst v63  }
0x5f: {  	_ =	swait.ge [sflag:s15], $0x1400  }
0x60: {  	[sflag:s15] =	ssyncset.done $0x0  }
0x61: {  	[sflag:s15] =	ssyncadd.s32 $0xFFFFEC00  }
0x62: {  	_ =	swait.ge [sflag:s16], $0x50  }
0x63: {  	[sflag:s16] =	ssyncset.done $0x0  }
0x64: {  	[sflag:s16] =	ssyncadd.s32 $0xFFFFFFB0  }
0x65: {  	[spmem:s4] =	stream.indirect.scatter.add.bf16 [tilespmem:s0], [sflag:$0x6], $0x40, s2, s28, $0xb8;
	[tilespmem:$0x10400] =	vst v63  }
0x66: {  	_ =	swait.ge [sflag:s21], $0x1400  }
0x67: {  	[sflag:s21] =	ssyncset.done $0x0  }
0x68: {  	s18 =	rddreg [dreg:$0xe];
	[sflag:s21] =	ssyncadd.s32 $0xFFFFEC00  }
0x69: {  	[tilespmem:s30], [sflag:$0x8] =	stream.linear.gather [hbm4b:s18+s5], $0x50, $0x38;
	[tilespmem:$0x10400] =	vst v63  }
0x6a: {  	s17 =	simm.s32 $0x140  }
0x6b: {  	[tilespmem:s31], [sflag:$0x2] =	stream.indirect.gather [hbm4b:s3+s28], $0x40, s17, s28, $0xb8;
	[tilespmem:$0x10400] =	vst v63  }
0x6c: {  	_ =	swait.ge [sflag:s10], $0x1400  }
0x6d: {  	[sflag:s10] =	ssyncset.done $0x0  }
0x6e: {  	[sflag:s10] =	ssyncadd.s32 $0xFFFFEC00  }
0x6f: {  	_ =	swait.ge [sflag:s11], $0x50  }
0x70: {  	[sflag:s11] =	ssyncset.done $0x0  }
0x71: {  	[sflag:s11] =	ssyncadd.s32 $0xFFFFFFB0  }
0x72: {  	[spmem:s4] =	stream.indirect.scatter.add.bf16 [tilespmem:s29], [sflag:$0x4], $0x40, s26, s28, $0xb8;
	[tilespmem:$0x10400] =	vst v63  }
0x73: {  	_ =	swait.ge [sflag:s22], $0x1400  }
0x74: {  	[sflag:s22] =	ssyncset.done $0x0  }
0x75: {  	s20 =	rddreg [dreg:$0xd];
	[sflag:s22] =	ssyncadd.s32 $0xFFFFEC00  }
0x76: {  	[tilespmem:s2], [sflag:$0x9] =	stream.linear.gather [hbm4b:s20+s5], $0x50, $0x38;
	[tilespmem:$0x10400] =	vst v63  }
0x77: {  	s24 =	simm.s32 $0x190  }
0x78: {  	[tilespmem:s0], [sflag:$0x3] =	stream.indirect.gather [hbm4b:s3+s28], $0x40, s24, s28, $0xb8;
	[tilespmem:$0x10400] =	vst v63  }
0x79: {  	_ =	swait.ge [sflag:s12], $0x1400  }
0x7a: {  	[sflag:s12] =	ssyncset.done $0x0  }
0x7b: {  	[sflag:s12] =	ssyncadd.s32 $0xFFFFEC00  }
0x7c: {  	_ =	swait.ge [sflag:s13], $0x50  }
0x7d: {  	s9 =	sadd.s32 $0xF0, s19;
	s18 =	sadd.s32 $0x1E, s18;
	[sflag:s13] =	ssyncset.done $0x0  }
0x7e: {  	s17 =	sadd.s32 $0x1E, s20;
	s24 =	simm.s32 $0x3C0;
	[sflag:s13] =	ssyncadd.s32 $0xFFFFFFB0  }
.LBB2_2:
0x7f: {  	[spmem:s4] =	stream.indirect.scatter.add.bf16 [tilespmem:s31], [sflag:$0x5], $0x40, s30, s28, $0xb8;
	[tilespmem:$0x10400] =	vst v63  }
0x80: {  	s19 =	smov.u32 s24  }
0x81: {  	p0 =	sne.s32 s24, $0x9240;
	s24 =	sadd.s32 $0x3C0, s24;
	_ =	swait.ge [sflag:s14], $0x1400  }
0x82: {  	s20 =	sshrl.u32 s9, $0x3;
	[sflag:s14] =	ssyncset.done $0x0  }
0x83: {  	s20 =	sadd.s32 s6, s20;
	s19 =	sshra.s32 s19, $0x2;
	[sflag:s14] =	ssyncadd.s32 $0xFFFFEC00  }
0x84: {  	[tilespmem:s26], [sflag:$0x7] =	stream.linear.gather [hbm4b:s20+s5], $0x50, $0x38;
	[tilespmem:$0x10400] =	vst v63  }
0x85: {  	s20 =	sadd.s32 $0xF0, s19  }
0x86: {  	[tilespmem:s29], [sflag:$0x1] =	stream.indirect.gather [hbm4b:s3+s28], $0x40, s20, s28, $0xb8;
	[tilespmem:$0x10400] =	vst v63  }
0x87: {  	_ =	swait.ge [sflag:s15], $0x1400  }
0x88: {  	[sflag:s15] =	ssyncset.done $0x0  }
0x89: {  	[sflag:s15] =	ssyncadd.s32 $0xFFFFEC00  }
0x8a: {  	_ =	swait.ge [sflag:s16], $0x50  }
0x8b: {  	[sflag:s16] =	ssyncset.done $0x0  }
0x8c: {  	[sflag:s16] =	ssyncadd.s32 $0xFFFFFFB0  }
0x8d: {  	[spmem:s4] =	stream.indirect.scatter.add.bf16 [tilespmem:s0], [sflag:$0x6], $0x40, s2, s28, $0xb8;
	[tilespmem:$0x10400] =	vst v63  }
0x8e: {  	_ =	swait.ge [sflag:s21], $0x1400  }
0x8f: {  	[sflag:s21] =	ssyncset.done $0x0  }
0x90: {  	[sflag:s21] =	ssyncadd.s32 $0xFFFFEC00  }
0x91: {  	[tilespmem:s30], [sflag:$0x8] =	stream.linear.gather [hbm4b:s18+s5], $0x50, $0x38;
	[tilespmem:$0x10400] =	vst v63  }
0x92: {  	s20 =	sadd.s32 $0x140, s19  }
0x93: {  	[tilespmem:s31], [sflag:$0x2] =	stream.indirect.gather [hbm4b:s3+s28], $0x40, s20, s28, $0xb8;
	[tilespmem:$0x10400] =	vst v63  }
0x94: {  	_ =	swait.ge [sflag:s10], $0x1400  }
0x95: {  	[sflag:s10] =	ssyncset.done $0x0  }
0x96: {  	[sflag:s10] =	ssyncadd.s32 $0xFFFFEC00  }
0x97: {  	_ =	swait.ge [sflag:s11], $0x50  }
0x98: {  	[sflag:s11] =	ssyncset.done $0x0  }
0x99: {  	[sflag:s11] =	ssyncadd.s32 $0xFFFFFFB0  }
0x9a: {  	[spmem:s4] =	stream.indirect.scatter.add.bf16 [tilespmem:s29], [sflag:$0x4], $0x40, s26, s28, $0xb8;
	[tilespmem:$0x10400] =	vst v63  }
0x9b: {  	_ =	swait.ge [sflag:s22], $0x1400  }
0x9c: {  	[sflag:s22] =	ssyncset.done $0x0  }
0x9d: {  	[sflag:s22] =	ssyncadd.s32 $0xFFFFEC00  }
0x9e: {  	[tilespmem:s2], [sflag:$0x9] =	stream.linear.gather [hbm4b:s17+s5], $0x50, $0x38;
	[tilespmem:$0x10400] =	vst v63  }
0x9f: {  	s19 =	sadd.s32 $0x190, s19  }
0xa0: {  	[tilespmem:s0], [sflag:$0x3] =	stream.indirect.gather [hbm4b:s3+s28], $0x40, s19, s28, $0xb8;
	[tilespmem:$0x10400] =	vst v63  }
0xa1: {  	_ =	swait.ge [sflag:s12], $0x1400  }
.Ltmp0:
0xa2: {  	[sflag:s12] =	ssyncset.done $0x0;
	(pc) =	sbr.rel @p0 .LBB2_2-.Ltmp0, $4  }
0xa3: {  	[sflag:s12] =	ssyncadd.s32 $0xFFFFEC00  }
0xa4: {  	_ =	swait.ge [sflag:s13], $0x50  }
0xa5: {  	s9 =	sadd.s32 $0xF0, s9;
	[sflag:s13] =	ssyncset.done $0x0  }
0xa6: {  	s18 =	sadd.s32 $0x1E, s18;
	s17 =	sadd.s32 $0x1E, s17;
	[sflag:s13] =	ssyncadd.s32 $0xFFFFFFB0  }
0xa7: {  	[spmem:s4] =	stream.indirect.scatter.add.bf16 [tilespmem:s31], [sflag:$0x5], $0x40, s30, s28, $0xb8;
	[tilespmem:$0x10400] =	vst v63  }
0xa8: {  	_ =	swait.ge [sflag:s14], $0x1400  }
0xa9: {  	[sflag:s14] =	ssyncset.done $0x0  }
0xaa: {  	s9 =	rddreg [dreg:$0x9];
	[sflag:s14] =	ssyncadd.s32 $0xFFFFEC00  }
0xab: {  	[tilespmem:s26], [sflag:$0x7] =	stream.linear.gather [hbm4b:s9+s5], $0x50, $0x38;
	[tilespmem:$0x10400] =	vst v63  }
0xac: {  	s17 =	simm.s32 $0x2670  }
0xad: {  	[tilespmem:s29], [sflag:$0x1] =	stream.indirect.gather [hbm4b:s3+s28], $0x40, s17, s28, $0xb8;
	[tilespmem:$0x10400] =	vst v63  }
0xae: {  	_ =	swait.ge [sflag:s15], $0x1400  }
0xaf: {  	[sflag:s15] =	ssyncset.done $0x0  }
0xb0: {  	[sflag:s15] =	ssyncadd.s32 $0xFFFFEC00  }
0xb1: {  	_ =	swait.ge [sflag:s16], $0x50  }
0xb2: {  	[sflag:s16] =	ssyncset.done $0x0  }
0xb3: {  	[sflag:s16] =	ssyncadd.s32 $0xFFFFFFB0  }
0xb4: {  	[spmem:s4] =	stream.indirect.scatter.add.bf16 [tilespmem:s0], [sflag:$0x6], $0x40, s2, s28, $0xb8;
	[tilespmem:$0x10400] =	vst v63  }
0xb5: {  	_ =	swait.ge [sflag:s21], $0x1400  }
0xb6: {  	[sflag:s21] =	ssyncset.done $0x0  }
0xb7: {  	s18 =	rddreg [dreg:$0xa];
	[sflag:s21] =	ssyncadd.s32 $0xFFFFEC00  }
0xb8: {  	[tilespmem:s30], [sflag:$0x8] =	stream.linear.gather [hbm4b:s18+s5], $0x50, $0x38;
	[tilespmem:$0x10400] =	vst v63  }
0xb9: {  	s19 =	simm.s32 $0x26C0  }
0xba: {  	[tilespmem:s31], [sflag:$0x2] =	stream.indirect.gather [hbm4b:s3+s28], $0x40, s19, s28, $0xb8;
	[tilespmem:$0x10400] =	vst v63  }
0xbb: {  	_ =	swait.ge [sflag:s10], $0x1400  }
0xbc: {  	[sflag:s10] =	ssyncset.done $0x0  }
0xbd: {  	[sflag:s10] =	ssyncadd.s32 $0xFFFFEC00  }
0xbe: {  	_ =	swait.ge [sflag:s11], $0x50  }
0xbf: {  	[sflag:s11] =	ssyncset.done $0x0  }
0xc0: {  	[sflag:s11] =	ssyncadd.s32 $0xFFFFFFB0  }
0xc1: {  	[spmem:s4] =	stream.indirect.scatter.add.bf16 [tilespmem:s29], [sflag:$0x4], $0x40, s26, s28, $0xb8;
	[tilespmem:$0x10400] =	vst v63  }
0xc2: {  	_ =	swait.ge [sflag:s12], $0x1400  }
0xc3: {  	[sflag:s12] =	ssyncset.done $0x0  }
0xc4: {  	[sflag:s12] =	ssyncadd.s32 $0xFFFFEC00  }
0xc5: {  	_ =	swait.ge [sflag:s13], $0x50  }
0xc6: {  	[sflag:s13] =	ssyncset.done $0x0  }
0xc7: {  	[sflag:s13] =	ssyncadd.s32 $0xFFFFFFB0  }
0xc8: {  	[spmem:s4] =	stream.indirect.scatter.add.bf16 [tilespmem:s31], [sflag:$0x5], $0x40, s30, s28, $0xb8;
	[tilespmem:$0x10400] =	vst v63  }
0xc9: {  	_ =	swait.ge [sflag:s22], $0x1400  }
0xca: {  	[sflag:s22] =	ssyncset.done $0x0  }
0xcb: {  	[sflag:s22] =	ssyncadd.s32 $0xFFFFEC00  }
0xcc: {  	_ =	swait.ge [sflag:s14], $0x1400  }
0xcd: {  	[sflag:s14] =	ssyncset.done $0x0  }
0xce: {  	[sflag:s14] =	ssyncadd.s32 $0xFFFFEC00  }
0xcf: {  	_ =	swait.ge [sflag:s21], $0x1400  }
0xd0: {  	[sflag:s21] =	ssyncset.done $0x0  }
0xd1: {  	[sflag:s21] =	ssyncadd.s32 $0xFFFFEC00  }
0xd2: {  	[bflag:$0x0] =	sbarrier.arrive $0xFFFF  }
0xd3: {  	s20 =	rddreg [dreg:$0x4]  }
0xd4: {  	s17 =	rddreg [dreg:$0xb];
	s9 =	sor.u32 $0x1C0B, s20  }
0xd5: {  	[hbm:s17], [sflag:s9] =	dma.local [spmem:s1], $0x1400  }
0xd6: {  	_ =	swait.ge [sflag:s25], $0x1400  }
0xd7: {  	s23 =	sadd.s32 $0x1, s23;
	s24 =	rddreg [dreg:$0xc]  }
0xd8: {  	p0 =	sne.s32 s23, s24  }
.Ltmp1:
0xd9: {  	_ = 	snop;
	(pc) =	sbr.rel @p0 .LBB2_1-.Ltmp1, $3  }
0xda: {  	_ =	sdelay $0x1  }
0xdb: {  	[sflag:s25] =	ssyncset.done $0x0  }
0xdc: {  	s17 =	smov.u32 s1;
	[sflag:s25] =	ssyncadd.s32 $0xFFFFEC00  }
0xdd: {  	_ =	sfence.sel $0x180000  }
0xde: {  	[bflag:$0x0] =	sbarrier.arrive $0xFFFF  }
0xdf: {  	_ =	strace $0x90000047  }
0xe0: {  	s0 =	stileid.u32;
	[bflag:$0x2] =	sbarrier.arrive $0xFFFF  }
0xe1: {  	p0 =	sne.s32 s0, $0x0;
	s0 =	rddreg [dreg:$0x3]  }
0xe2: {  	s0 =	sadd.s32 @!p0 $0x100000, s0  }
0xe3: {  	[sflag:s0] =	ssyncadd.tile.s32 @!p0 $0x1;
	_ =	shalt  }
.Lfunc_end2:
_tile_overlayer_lowered:
.L_overlay_start_2:
0xe4: {  	(tag) =	ssettag $0x2  }
0xe5: {  	s0 =	rddreg [dreg:$0x0];
	s2 =	stileid.u32  }
0xe6: {  	s1 =	rddreg [dreg:$0x1];
	p0 =	sne.s32 s2, $0x0  }
0xe7: {  	s3 =	rddreg [dreg:$0x2];
	[bflag:$0x3] =	sbarrier.arrive $0xFFFF;
	s2 =	simm.s32 @!p0 $0x1C0B  }
0xe8: {  	[timem:s3], [sflag:s2] =	dma.local @!p0 [hbm:s0], s1  }
0xe9: {  	s0 =	simm.s32 @!p0 $0xB  }
0xea: {  	_ =	swait.ge @!p0 [sflag:s0], s1  }
0xeb: {  	s1 =	ssub.s32 @!p0 $0x0, s1;
	[sflag:s0] =	ssyncset.done @!p0 $0x0  }
0xec: {  	[sflag:s0] =	ssyncadd.s32 @!p0 s1  }
0xed: {  	[bflag:$0x3] =	sbarrier.arrive $0xFFFF  }
0xee: {  	_ =	shalt  }

</sc_bundles>
